<compile_context>
chip_gen: v7x
topology: tpu7x:2x2x1
jax: 0.10.2.dev20260603
libtpu: 0.0.44.dev20260713+nightly
codegen_flags: <defaults>
</compile_context>

<pallas_src>
import functools

import jax
import jax.numpy as jnp
from jax import lax
from jax.experimental import pallas as pl
from jax.experimental.pallas import tpu as pltpu
from jax.experimental.pallas import tpu_sc as plsc

N = 10000
D = 128
EPS = 1e-5

NC = 2
NS = 16
NW = NC * NS
CH = 128
CHS = 128

NPAD = 10112
ROWS_PER_TILE = NPAD // NS


def _make_deg_kernel(k_chunks):
  mesh = plsc.VectorSubcoreMesh(core_axis_name="c", subcore_axis_name="s")

  @functools.partial(
      pl.kernel,
      out_type=jax.ShapeDtypeStruct((NC * NPAD,), jnp.float32),
      mesh=mesh,
      scratch_types=[
          pltpu.VMEM((k_chunks, CH), jnp.int32),
          pltpu.VMEM((CH,), jnp.float32),
          pltpu.VMEM((ROWS_PER_TILE,), jnp.float32),
          pltpu.VMEM_SHARED((NPAD,), jnp.float32),
      ],
  )
  def deg_kernel(col_hbm, zero_hbm, deg_hbm, col_v, ones_v, tmp_v, deg_sh):
    cid = lax.axis_index("c")
    sid = lax.axis_index("s")
    wid = sid * NC + cid
    pltpu.sync_copy(col_hbm.at[wid], col_v)
    for i in range(CH // 16):
      ones_v[pl.ds(i * 16, 16)] = jnp.ones((16,), jnp.float32)
    base = sid * ROWS_PER_TILE
    pltpu.sync_copy(zero_hbm, tmp_v)
    pltpu.sync_copy(tmp_v, deg_sh.at[pl.ds(base, ROWS_PER_TILE)])
    plsc.subcore_barrier()

    @pl.loop(0, k_chunks)
    def _(j):
      pltpu.sync_copy(ones_v, deg_sh.at[col_v.at[j]], add=True)

    plsc.subcore_barrier()
    pltpu.sync_copy(deg_sh.at[pl.ds(base, ROWS_PER_TILE)], tmp_v)
    pltpu.sync_copy(tmp_v, deg_hbm.at[pl.ds(cid * NPAD + base, ROWS_PER_TILE)])

  return deg_kernel


DH = D // 2


def _make_scatter_kernel(k_chunks):
  mesh = plsc.VectorSubcoreMesh(core_axis_name="c", subcore_axis_name="s")

  @functools.partial(
      pl.kernel,
      out_type=jax.ShapeDtypeStruct((NC, NPAD, DH), jnp.float32),
      mesh=mesh,
      compiler_params=pltpu.CompilerParams(use_tc_tiling_on_sc=False),
      scratch_types=[
          pltpu.VMEM((k_chunks, CHS), jnp.int32),
          pltpu.VMEM((k_chunks, CHS), jnp.int32),
          pltpu.VMEM((CHS, DH), jnp.float32),
          pltpu.VMEM((CHS, DH), jnp.float32),
          pltpu.VMEM_SHARED((NPAD, DH), jnp.float32),
          pltpu.SemaphoreType.DMA,
      ],
  )
  def scat_kernel(y_hbm, row_hbm, col_hbm, zero_hbm, out_hbm,
                  row_v, col_v, buf_v, buf2_v, acc_sh, gsem):
    cid = lax.axis_index("c")
    sid = lax.axis_index("s")
    pltpu.sync_copy(row_hbm.at[sid], row_v)
    pltpu.sync_copy(col_hbm.at[sid], col_v)
    base = sid * ROWS_PER_TILE
    nfull = ROWS_PER_TILE // CHS
    tail = ROWS_PER_TILE - nfull * CHS
    pltpu.sync_copy(zero_hbm, buf_v)

    @pl.loop(0, nfull)
    def _(j):
      pltpu.sync_copy(buf_v, acc_sh.at[pl.ds(base + j * CHS, CHS)])

    pltpu.sync_copy(buf_v.at[pl.ds(0, tail)],
                    acc_sh.at[pl.ds(base + nfull * CHS, tail)])
    plsc.subcore_barrier()

    ytab = y_hbm.at[cid]

    @pl.loop(0, k_chunks, step=2)
    def _(jj):
      d0 = pltpu.async_copy(ytab.at[row_v.at[jj]], buf_v, gsem)
      d1 = pltpu.async_copy(ytab.at[row_v.at[jj + 1]], buf2_v, gsem)
      d0.wait()
      pltpu.sync_copy(buf_v, acc_sh.at[col_v.at[jj]], add=True)
      d1.wait()
      pltpu.sync_copy(buf2_v, acc_sh.at[col_v.at[jj + 1]], add=True)

    plsc.subcore_barrier()

    @pl.loop(0, nfull)
    def _(j):
      pltpu.sync_copy(acc_sh.at[pl.ds(base + j * CHS, CHS)], buf_v)
      pltpu.sync_copy(buf_v, out_hbm.at[cid, pl.ds(base + j * CHS, CHS)])

    pltpu.sync_copy(acc_sh.at[pl.ds(base + nfull * CHS, tail)],
                    buf_v.at[pl.ds(0, tail)])
    pltpu.sync_copy(buf_v.at[pl.ds(0, tail)],
                    out_hbm.at[cid, pl.ds(base + nfull * CHS, tail)])

  return scat_kernel


def _mlp_body(x_ref, w1_ref, b1_ref, g1_ref, be1_ref, wg_ref, xh_ref):
  h = jnp.dot(x_ref[...], w1_ref[...], preferred_element_type=jnp.float32)
  h = h + b1_ref[...]
  mu = jnp.mean(h, axis=0, keepdims=True)
  c = h - mu
  var = jnp.mean(c * c, axis=0, keepdims=True)
  h = g1_ref[...] * c * lax.rsqrt(var + EPS) + be1_ref[...]
  h = jnp.maximum(h, 0.0)
  xh_ref[...] = jnp.dot(h, wg_ref[...], preferred_element_type=jnp.float32)


def _scale_body(xh_ref, p_ref, y2_ref, dinv_ref):
  deg = p_ref[0] + p_ref[1] + 1.0
  dinv = lax.rsqrt(deg)
  dinv_ref[...] = dinv
  t = xh_ref[...] * dinv[0:N]
  y2_ref[0, pl.ds(0, N), :] = t[:, 0:DH]
  y2_ref[1, pl.ds(0, N), :] = t[:, DH:D]
  y2_ref[0, pl.ds(N, NPAD - N), :] = jnp.zeros((NPAD - N, DH), jnp.float32)
  y2_ref[1, pl.ds(N, NPAD - N), :] = jnp.zeros((NPAD - N, DH), jnp.float32)


def _final_body(s_ref, y2_ref, dinv_ref, bg_ref, g2_ref, be2_ref, out_ref):
  s = jnp.concatenate(
      [s_ref[0, pl.ds(0, N), :] + y2_ref[0, pl.ds(0, N), :],
       s_ref[1, pl.ds(0, N), :] + y2_ref[1, pl.ds(0, N), :]], axis=1)
  pre = dinv_ref[pl.ds(0, N), :] * s + bg_ref[...]
  mu = jnp.mean(pre, axis=0, keepdims=True)
  c = pre - mu
  var = jnp.mean(c * c, axis=0, keepdims=True)
  out_ref[...] = jnp.maximum(
      g2_ref[...] * c * lax.rsqrt(var + EPS) + be2_ref[...], 0.0)


def kernel(x, edge_index, W1, b1, g1, be1, Wg, bg, g2, be2):
  e = edge_index.shape[1]
  kd = -(-e // (NW * CH))
  ks = -(-e // (NS * CHS))
  ks = ks + (ks % 2)
  padd = NW * kd * CH - e
  pads = NS * ks * CHS - e

  col_d = jnp.concatenate(
      [edge_index[1], jnp.full((padd,), N, jnp.int32)]).reshape(NW, kd, CH)
  row_s = jnp.concatenate(
      [edge_index[0], jnp.full((pads,), N, jnp.int32)]).reshape(NS, ks, CHS)
  col_s = jnp.concatenate(
      [edge_index[1], jnp.full((pads,), N, jnp.int32)]).reshape(NS, ks, CHS)
  zeros1 = jnp.zeros((ROWS_PER_TILE,), jnp.float32)
  zeros2 = jnp.zeros((CHS, DH), jnp.float32)

  deg_parts = _make_deg_kernel(kd)(col_d, zeros1)

  xh = pl.pallas_call(
      _mlp_body,
      out_shape=jax.ShapeDtypeStruct((N, D), jnp.float32),
  )(x, W1, b1.reshape(1, D), g1.reshape(1, D), be1.reshape(1, D), Wg)

  y2, dinv = pl.pallas_call(
      _scale_body,
      out_shape=(jax.ShapeDtypeStruct((NC, NPAD, DH), jnp.float32),
                 jax.ShapeDtypeStruct((NPAD, 1), jnp.float32)),
  )(xh, deg_parts.reshape(NC, NPAD, 1))

  s_parts = _make_scatter_kernel(ks)(y2, row_s, col_s, zeros2)

  out = pl.pallas_call(
      _final_body,
      out_shape=jax.ShapeDtypeStruct((N, D), jnp.float32),
  )(s_parts, y2, dinv, bg.reshape(1, D), g2.reshape(1, D), be2.reshape(1, D))
  return out

# --- scband reference (transcript-rebuilt; emitter-appended) ---
"""Pipeline reference for scband-encoder-layer-20263655702649 (READ-ONLY COPY).

The authoritative reference and input builder live on the scoring server;
editing this copy changes nothing except your own understanding.
"""

import jax, jax.numpy as jnp
import numpy as np

N = 10000
D = 128
E = 320000
EPS = 1e-5

def setup_inputs(seed: int = 0):
    key = jax.random.key(seed)
    ks = jax.random.split(key, 12)
    s = 1.0 / np.sqrt(D)
    x = jax.random.normal(ks[0], (N, D), dtype=jnp.float32)
    edge_index = jax.random.randint(ks[1], (2, E), 0, N, dtype=jnp.int32)
    W1 = jax.random.uniform(ks[2], (D, D), dtype=jnp.float32, minval=-s, maxval=s)
    b1 = jax.random.uniform(ks[3], (D,), dtype=jnp.float32, minval=-s, maxval=s)
    g1 = jnp.ones((D,), dtype=jnp.float32)
    be1 = jnp.zeros((D,), dtype=jnp.float32)
    Wg = jax.random.uniform(ks[4], (D, D), dtype=jnp.float32, minval=-s, maxval=s)
    bg = jnp.zeros((D,), dtype=jnp.float32)
    g2 = jnp.ones((D,), dtype=jnp.float32)
    be2 = jnp.zeros((D,), dtype=jnp.float32)
    return {"x": x, "edge_index": edge_index, "W1": W1, "b1": b1, "g1": g1, "be1": be1, "Wg": Wg, "bg": bg, "g2": g2, "be2": be2}

def _batchnorm(h, g, b):
    mu = h.mean(axis=0)
    var = ((h - mu) ** 2).mean(axis=0)
    return g * (h - mu) / jnp.sqrt(var + EPS) + b

def reference(x, edge_index, W1, b1, g1, be1, Wg, bg, g2, be2):
    # MLP: Linear -> BatchNorm1d (training stats) -> ReLU
    h = x @ W1 + b1
    h = _batchnorm(h, g1, be1)
    h = jax.nn.relu(h)
    # GCNConv with add_self_loops=True, normalize=True
    n = h.shape[0]
    loop = jnp.arange(n, dtype=edge_index.dtype)
    row = jnp.concatenate([edge_index[0], loop])
    col = jnp.concatenate([edge_index[1], loop])
    deg = jnp.zeros((n,), dtype=h.dtype).at[col].add(1.0)
    dinv = jnp.where(deg > 0, jax.lax.rsqrt(deg), 0.0)
    norm = dinv[row] * dinv[col]
    xh = h @ Wg
    out = jnp.zeros_like(xh).at[col].add(xh[row] * norm[:, None]) + bg
    # BatchNorm + ReLU
    out = _batchnorm(out, g2, be2)
    return jax.nn.relu(out)

if __name__ == "__main__":
    import jax
    _d = setup_inputs()
    print(jax.jit(kernel)(*tuple(_d.values())))

</pallas_src>

<mosaic_0001>
#map = affine_map<(d0, d1) -> (0, 0, 0)>
#map1 = affine_map<(d0, d1) -> (0, 0)>
module attributes {stable_mosaic.version = 14 : i64} {
  func.func @scat_kernel(%arg0: i32, %arg1: i32, %arg2: memref<2x10112x64xf32, #tpu.memory_space<hbm>>, %arg3: memref<16x158x128xi32, #tpu.memory_space<hbm>>, %arg4: memref<16x158x128xi32, #tpu.memory_space<hbm>>, %arg5: memref<128x64xf32, #tpu.memory_space<hbm>>, %arg6: memref<2x10112x64xf32, #tpu.memory_space<hbm>>, %arg7: memref<158x128xi32, #tpu.memory_space<vmem>>, %arg8: memref<158x128xi32, #tpu.memory_space<vmem>>, %arg9: memref<128x64xf32, #tpu.memory_space<vmem>>, %arg10: memref<128x64xf32, #tpu.memory_space<vmem>>, %arg11: memref<10112x64xf32, #tpu.memory_space<vmem_shared>>, %arg12: memref<!tpu.dma_semaphore, #tpu.memory_space<semaphore_mem>>) attributes {dimension_semantics = [#tpu.dimension_semantics<core_parallel>, #tpu.dimension_semantics<subcore_parallel>], iteration_bounds = array<i64: 2, 16>, scalar_prefetch = 0 : i64, scratch_operands = 6 : i64, tpu.core_type = #tpu.core_type<sc_vector_subcore>, window_params = [{transform_indices = #map}, {transform_indices = #map}, {transform_indices = #map}, {transform_indices = #map1}, {transform_indices = #map}]} {
    "tpu.region"() ({
      %run_scoped3A = tpu.sem_alloc : memref<!tpu.dma_semaphore, #tpu.memory_space<semaphore_mem>>
      %dma_start3A = arith.constant 0 : i32
      %dma_start3A_21 = arith.constant 0 : i32
      %dma_start3A_22 = tpu.memref_slice %arg3[%arg1, %dma_start3A, %dma_start3A_21] : memref<16x158x128xi32, #tpu.memory_space<hbm>> -> memref<1x158x128xi32, #tpu.memory_space<hbm>>
      %dma_start3A_23 = tpu.memref_squeeze %dma_start3A_22 : memref<1x158x128xi32, #tpu.memory_space<hbm>> -> memref<158x128xi32, #tpu.memory_space<hbm>>
      %dma_start3A_24 = arith.constant 0 : i32
      %dma_start3A_25 = arith.constant 0 : i32
      %dma_start3A_26 = tpu.memref_slice %arg3[%arg1, %dma_start3A_24, %dma_start3A_25] : memref<16x158x128xi32, #tpu.memory_space<hbm>> -> memref<1x158x128xi32, #tpu.memory_space<hbm>>
      %dma_start3A_27 = tpu.memref_squeeze %dma_start3A_26 : memref<1x158x128xi32, #tpu.memory_space<hbm>> -> memref<158x128xi32, #tpu.memory_space<hbm>>
      tpu.enqueue_dma source(%dma_start3A_27 : memref<158x128xi32, #tpu.memory_space<hbm>>) target(%arg7 : memref<158x128xi32, #tpu.memory_space<vmem>>) target_semaphore(%run_scoped3A : memref<!tpu.dma_semaphore, #tpu.memory_space<semaphore_mem>>)
      %dma_wait3A = arith.constant 0 : i32
      %dma_wait3A_28 = arith.constant 0 : i32
      %dma_wait3A_29 = tpu.memref_slice %arg3[%arg1, %dma_wait3A, %dma_wait3A_28] : memref<16x158x128xi32, #tpu.memory_space<hbm>> -> memref<1x158x128xi32, #tpu.memory_space<hbm>>
      %dma_wait3A_30 = tpu.memref_squeeze %dma_wait3A_29 : memref<1x158x128xi32, #tpu.memory_space<hbm>> -> memref<158x128xi32, #tpu.memory_space<hbm>>
      %dma_wait3A_31 = arith.constant 0 : i32
      %dma_wait3A_32 = arith.constant 0 : i32
      %dma_wait3A_33 = tpu.memref_slice %arg3[%arg1, %dma_wait3A_31, %dma_wait3A_32] : memref<16x158x128xi32, #tpu.memory_space<hbm>> -> memref<1x158x128xi32, #tpu.memory_space<hbm>>
      %dma_wait3A_34 = tpu.memref_squeeze %dma_wait3A_33 : memref<1x158x128xi32, #tpu.memory_space<hbm>> -> memref<158x128xi32, #tpu.memory_space<hbm>>
      tpu.wait_dma2 semaphore(%run_scoped3A : memref<!tpu.dma_semaphore, #tpu.memory_space<semaphore_mem>>) src(%dma_wait3A_34 : memref<158x128xi32, #tpu.memory_space<hbm>>) dst(%arg7 : memref<158x128xi32, #tpu.memory_space<vmem>>)
      tpu.yield
    }) : () -> ()
    "tpu.region"() ({
      %run_scoped3A = tpu.sem_alloc : memref<!tpu.dma_semaphore, #tpu.memory_space<semaphore_mem>>
      %dma_start3A = arith.constant 0 : i32
      %dma_start3A_21 = arith.constant 0 : i32
      %dma_start3A_22 = tpu.memref_slice %arg4[%arg1, %dma_start3A, %dma_start3A_21] : memref<16x158x128xi32, #tpu.memory_space<hbm>> -> memref<1x158x128xi32, #tpu.memory_space<hbm>>
      %dma_start3A_23 = tpu.memref_squeeze %dma_start3A_22 : memref<1x158x128xi32, #tpu.memory_space<hbm>> -> memref<158x128xi32, #tpu.memory_space<hbm>>
      %dma_start3A_24 = arith.constant 0 : i32
      %dma_start3A_25 = arith.constant 0 : i32
      %dma_start3A_26 = tpu.memref_slice %arg4[%arg1, %dma_start3A_24, %dma_start3A_25] : memref<16x158x128xi32, #tpu.memory_space<hbm>> -> memref<1x158x128xi32, #tpu.memory_space<hbm>>
      %dma_start3A_27 = tpu.memref_squeeze %dma_start3A_26 : memref<1x158x128xi32, #tpu.memory_space<hbm>> -> memref<158x128xi32, #tpu.memory_space<hbm>>
      tpu.enqueue_dma source(%dma_start3A_27 : memref<158x128xi32, #tpu.memory_space<hbm>>) target(%arg8 : memref<158x128xi32, #tpu.memory_space<vmem>>) target_semaphore(%run_scoped3A : memref<!tpu.dma_semaphore, #tpu.memory_space<semaphore_mem>>)
      %dma_wait3A = arith.constant 0 : i32
      %dma_wait3A_28 = arith.constant 0 : i32
      %dma_wait3A_29 = tpu.memref_slice %arg4[%arg1, %dma_wait3A, %dma_wait3A_28] : memref<16x158x128xi32, #tpu.memory_space<hbm>> -> memref<1x158x128xi32, #tpu.memory_space<hbm>>
      %dma_wait3A_30 = tpu.memref_squeeze %dma_wait3A_29 : memref<1x158x128xi32, #tpu.memory_space<hbm>> -> memref<158x128xi32, #tpu.memory_space<hbm>>
      %dma_wait3A_31 = arith.constant 0 : i32
      %dma_wait3A_32 = arith.constant 0 : i32
      %dma_wait3A_33 = tpu.memref_slice %arg4[%arg1, %dma_wait3A_31, %dma_wait3A_32] : memref<16x158x128xi32, #tpu.memory_space<hbm>> -> memref<1x158x128xi32, #tpu.memory_space<hbm>>
      %dma_wait3A_34 = tpu.memref_squeeze %dma_wait3A_33 : memref<1x158x128xi32, #tpu.memory_space<hbm>> -> memref<158x128xi32, #tpu.memory_space<hbm>>
      tpu.wait_dma2 semaphore(%run_scoped3A : memref<!tpu.dma_semaphore, #tpu.memory_space<semaphore_mem>>) src(%dma_wait3A_34 : memref<158x128xi32, #tpu.memory_space<hbm>>) dst(%arg8 : memref<158x128xi32, #tpu.memory_space<vmem>>)
      tpu.yield
    }) : () -> ()
    %mul3A = arith.constant 632 : i32
    %mul3A_0 = arith.muli %arg1, %mul3A : i32
    "tpu.region"() ({
      %run_scoped3A = tpu.sem_alloc : memref<!tpu.dma_semaphore, #tpu.memory_space<semaphore_mem>>
      tpu.enqueue_dma source(%arg5 : memref<128x64xf32, #tpu.memory_space<hbm>>) target(%arg9 : memref<128x64xf32, #tpu.memory_space<vmem>>) target_semaphore(%run_scoped3A : memref<!tpu.dma_semaphore, #tpu.memory_space<semaphore_mem>>)
      tpu.wait_dma2 semaphore(%run_scoped3A : memref<!tpu.dma_semaphore, #tpu.memory_space<semaphore_mem>>) src(%arg5 : memref<128x64xf32, #tpu.memory_space<hbm>>) dst(%arg9 : memref<128x64xf32, #tpu.memory_space<vmem>>)
      tpu.yield
    }) : () -> ()
    %scan3A = arith.constant 0 : i32
    %scan3A_1 = arith.constant 4 : i32
    %scan3A_2 = arith.addi %scan3A, %scan3A_1 : i32
    %scan3A_3 = arith.constant 1 : i32
    scf.for %scan3A_21 = %scan3A to %scan3A_2 step %scan3A_3  : i32 {
      %mul3A_22 = arith.constant 1 : i32
      %mul3A_23 = arith.muli %scan3A_21, %mul3A_22 : i32
      %add3A_24 = arith.constant 0 : i32
      %add3A_25 = arith.addi %add3A_24, %mul3A_23 : i32
      %mul3A_26 = arith.constant 128 : i32
      %mul3A_27 = arith.muli %add3A_25, %mul3A_26 : i32
      %add3A_28 = arith.addi %mul3A_0, %mul3A_27 : i32
      "tpu.region"() ({
        %run_scoped3A = tpu.sem_alloc : memref<!tpu.dma_semaphore, #tpu.memory_space<semaphore_mem>>
        %dma_start3A = arith.constant 0 : i32
        %dma_start3A_29 = tpu.memref_slice %arg11[%add3A_28, %dma_start3A] : memref<10112x64xf32, #tpu.memory_space<vmem_shared>> -> memref<128x64xf32, #tpu.memory_space<vmem_shared>>
        %dma_start3A_30 = arith.constant 0 : i32
        %dma_start3A_31 = tpu.memref_slice %arg11[%add3A_28, %dma_start3A_30] : memref<10112x64xf32, #tpu.memory_space<vmem_shared>> -> memref<128x64xf32, #tpu.memory_space<vmem_shared>>
        tpu.enqueue_dma source(%arg9 : memref<128x64xf32, #tpu.memory_space<vmem>>) target(%dma_start3A_31 : memref<128x64xf32, #tpu.memory_space<vmem_shared>>) target_semaphore(%run_scoped3A : memref<!tpu.dma_semaphore, #tpu.memory_space<semaphore_mem>>)
        %dma_wait3A = arith.constant 0 : i32
        %dma_wait3A_32 = tpu.memref_slice %arg11[%add3A_28, %dma_wait3A] : memref<10112x64xf32, #tpu.memory_space<vmem_shared>> -> memref<128x64xf32, #tpu.memory_space<vmem_shared>>
        %dma_wait3A_33 = arith.constant 0 : i32
        %dma_wait3A_34 = tpu.memref_slice %arg11[%add3A_28, %dma_wait3A_33] : memref<10112x64xf32, #tpu.memory_space<vmem_shared>> -> memref<128x64xf32, #tpu.memory_space<vmem_shared>>
        tpu.wait_dma2 semaphore(%run_scoped3A : memref<!tpu.dma_semaphore, #tpu.memory_space<semaphore_mem>>) src(%arg9 : memref<128x64xf32, #tpu.memory_space<vmem>>) dst(%dma_wait3A_34 : memref<128x64xf32, #tpu.memory_space<vmem_shared>>)
        tpu.yield
      }) : () -> ()
    }
    %scan3A_4 = arith.constant 4 : i32
    %add3A = arith.constant 512 : i32
    %add3A_5 = arith.addi %mul3A_0, %add3A : i32
    "tpu.region"() ({
      %run_scoped3A = tpu.sem_alloc : memref<!tpu.dma_semaphore, #tpu.memory_space<semaphore_mem>>
      %dma_start3A = arith.constant 0 : i32
      %dma_start3A_21 = arith.constant 0 : i32
      %dma_start3A_22 = tpu.memref_slice %arg9[%dma_start3A, %dma_start3A_21] : memref<128x64xf32, #tpu.memory_space<vmem>> -> memref<120x64xf32, #tpu.memory_space<vmem>>
      %dma_start3A_23 = arith.constant 0 : i32
      %dma_start3A_24 = tpu.memref_slice %arg11[%add3A_5, %dma_start3A_23] : memref<10112x64xf32, #tpu.memory_space<vmem_shared>> -> memref<120x64xf32, #tpu.memory_space<vmem_shared>>
      %dma_start3A_25 = arith.constant 0 : i32
      %dma_start3A_26 = tpu.memref_slice %arg11[%add3A_5, %dma_start3A_25] : memref<10112x64xf32, #tpu.memory_space<vmem_shared>> -> memref<120x64xf32, #tpu.memory_space<vmem_shared>>
      %dma_start3A_27 = arith.constant 0 : i32
      %dma_start3A_28 = arith.constant 0 : i32
      %dma_start3A_29 = tpu.memref_slice %arg9[%dma_start3A_27, %dma_start3A_28] : memref<128x64xf32, #tpu.memory_space<vmem>> -> memref<120x64xf32, #tpu.memory_space<vmem>>
      tpu.enqueue_dma source(%dma_start3A_29 : memref<120x64xf32, #tpu.memory_space<vmem>>) target(%dma_start3A_26 : memref<120x64xf32, #tpu.memory_space<vmem_shared>>) target_semaphore(%run_scoped3A : memref<!tpu.dma_semaphore, #tpu.memory_space<semaphore_mem>>)
      %dma_wait3A = arith.constant 0 : i32
      %dma_wait3A_30 = arith.constant 0 : i32
      %dma_wait3A_31 = tpu.memref_slice %arg9[%dma_wait3A, %dma_wait3A_30] : memref<128x64xf32, #tpu.memory_space<vmem>> -> memref<120x64xf32, #tpu.memory_space<vmem>>
      %dma_wait3A_32 = arith.constant 0 : i32
      %dma_wait3A_33 = tpu.memref_slice %arg11[%add3A_5, %dma_wait3A_32] : memref<10112x64xf32, #tpu.memory_space<vmem_shared>> -> memref<120x64xf32, #tpu.memory_space<vmem_shared>>
      %dma_wait3A_34 = arith.constant 0 : i32
      %dma_wait3A_35 = tpu.memref_slice %arg11[%add3A_5, %dma_wait3A_34] : memref<10112x64xf32, #tpu.memory_space<vmem_shared>> -> memref<120x64xf32, #tpu.memory_space<vmem_shared>>
      %dma_wait3A_36 = arith.constant 0 : i32
      %dma_wait3A_37 = arith.constant 0 : i32
      %dma_wait3A_38 = tpu.memref_slice %arg9[%dma_wait3A_36, %dma_wait3A_37] : memref<128x64xf32, #tpu.memory_space<vmem>> -> memref<120x64xf32, #tpu.memory_space<vmem>>
      tpu.wait_dma2 semaphore(%run_scoped3A : memref<!tpu.dma_semaphore, #tpu.memory_space<semaphore_mem>>) src(%dma_wait3A_38 : memref<120x64xf32, #tpu.memory_space<vmem>>) dst(%dma_wait3A_35 : memref<120x64xf32, #tpu.memory_space<vmem_shared>>)
      tpu.yield
    }) : () -> ()
    %barrier3A = arith.constant 0 : index
    tpu.barrier barrier_id(%barrier3A)
    %scan3A_6 = arith.constant 0 : i32
    %scan3A_7 = arith.constant 79 : i32
    %scan3A_8 = arith.addi %scan3A_6, %scan3A_7 : i32
    %scan3A_9 = arith.constant 1 : i32
    scf.for %scan3A_21 = %scan3A_6 to %scan3A_8 step %scan3A_9  : i32 {
      %mul3A_22 = arith.constant 2 : i32
      %mul3A_23 = arith.muli %scan3A_21, %mul3A_22 : i32
      %add3A_24 = arith.constant 0 : i32
      %add3A_25 = arith.addi %add3A_24, %mul3A_23 : i32
      %dma_start3A = arith.constant 0 : i32
      %dma_start3A_26 = tpu.memref_slice %arg7[%add3A_25, %dma_start3A] : memref<158x128xi32, #tpu.memory_space<vmem>> -> memref<1x128xi32, #tpu.memory_space<vmem>>
      %dma_start3A_27 = tpu.memref_squeeze %dma_start3A_26 : memref<1x128xi32, #tpu.memory_space<vmem>> -> memref<128xi32, #tpu.memory_space<vmem>>
      %dma_start3A_28 = arith.constant 0 : i32
      %dma_start3A_29 = arith.constant 0 : i32
      %dma_start3A_30 = tpu.memref_slice %arg2[%arg0, %dma_start3A_28, %dma_start3A_29] : memref<2x10112x64xf32, #tpu.memory_space<hbm>> -> memref<1x10112x64xf32, #tpu.memory_space<hbm>>
      %dma_start3A_31 = tpu.memref_squeeze %dma_start3A_30 : memref<1x10112x64xf32, #tpu.memory_space<hbm>> -> memref<10112x64xf32, #tpu.memory_space<hbm>>
      %dma_start3A_32 = arith.constant 0 : i32
      %dma_start3A_33 = arith.constant 0 : i32
      %dma_start3A_34 = tpu.memref_slice %dma_start3A_31[%dma_start3A_32, %dma_start3A_33] : memref<10112x64xf32, #tpu.memory_space<hbm>> -> memref<10112x64xf32, #tpu.memory_space<hbm>>
      tpu.enqueue_indirect_dma source(%dma_start3A_34 : memref<10112x64xf32, #tpu.memory_space<hbm>>) target(%arg9 : memref<128x64xf32, #tpu.memory_space<vmem>>) offsets(%dma_start3A_27 : memref<128xi32, #tpu.memory_space<vmem>>) semaphore(%arg12 : memref<!tpu.dma_semaphore, #tpu.memory_space<semaphore_mem>>)
      %add3A_35 = arith.constant 1 : i32
      %add3A_36 = arith.addi %add3A_25, %add3A_35 : i32
      %dma_start3A_37 = arith.constant 0 : i32
      %dma_start3A_38 = tpu.memref_slice %arg7[%add3A_36, %dma_start3A_37] : memref<158x128xi32, #tpu.memory_space<vmem>> -> memref<1x128xi32, #tpu.memory_space<vmem>>
      %dma_start3A_39 = tpu.memref_squeeze %dma_start3A_38 : memref<1x128xi32, #tpu.memory_space<vmem>> -> memref<128xi32, #tpu.memory_space<vmem>>
      %dma_start3A_40 = arith.constant 0 : i32
      %dma_start3A_41 = arith.constant 0 : i32
      %dma_start3A_42 = tpu.memref_slice %arg2[%arg0, %dma_start3A_40, %dma_start3A_41] : memref<2x10112x64xf32, #tpu.memory_space<hbm>> -> memref<1x10112x64xf32, #tpu.memory_space<hbm>>
      %dma_start3A_43 = tpu.memref_squeeze %dma_start3A_42 : memref<1x10112x64xf32, #tpu.memory_space<hbm>> -> memref<10112x64xf32, #tpu.memory_space<hbm>>
      %dma_start3A_44 = arith.constant 0 : i32
      %dma_start3A_45 = arith.constant 0 : i32
      %dma_start3A_46 = tpu.memref_slice %dma_start3A_43[%dma_start3A_44, %dma_start3A_45] : memref<10112x64xf32, #tpu.memory_space<hbm>> -> memref<10112x64xf32, #tpu.memory_space<hbm>>
      tpu.enqueue_indirect_dma source(%dma_start3A_46 : memref<10112x64xf32, #tpu.memory_space<hbm>>) target(%arg10 : memref<128x64xf32, #tpu.memory_space<vmem>>) offsets(%dma_start3A_39 : memref<128xi32, #tpu.memory_space<vmem>>) semaphore(%arg12 : memref<!tpu.dma_semaphore, #tpu.memory_space<semaphore_mem>>)
      %dma_wait3A = arith.constant 0 : i32
      %dma_wait3A_47 = tpu.memref_slice %arg7[%add3A_25, %dma_wait3A] : memref<158x128xi32, #tpu.memory_space<vmem>> -> memref<1x128xi32, #tpu.memory_space<vmem>>
      %dma_wait3A_48 = tpu.memref_squeeze %dma_wait3A_47 : memref<1x128xi32, #tpu.memory_space<vmem>> -> memref<128xi32, #tpu.memory_space<vmem>>
      %dma_wait3A_49 = arith.constant 0 : i32
      %dma_wait3A_50 = arith.constant 0 : i32
      %dma_wait3A_51 = tpu.memref_slice %arg2[%arg0, %dma_wait3A_49, %dma_wait3A_50] : memref<2x10112x64xf32, #tpu.memory_space<hbm>> -> memref<1x10112x64xf32, #tpu.memory_space<hbm>>
      %dma_wait3A_52 = tpu.memref_squeeze %dma_wait3A_51 : memref<1x10112x64xf32, #tpu.memory_space<hbm>> -> memref<10112x64xf32, #tpu.memory_space<hbm>>
      %dma_wait3A_53 = arith.constant 0 : i32
      %dma_wait3A_54 = arith.constant 0 : i32
      %dma_wait3A_55 = tpu.memref_slice %dma_wait3A_52[%dma_wait3A_53, %dma_wait3A_54] : memref<10112x64xf32, #tpu.memory_space<hbm>> -> memref<10112x64xf32, #tpu.memory_space<hbm>>
      tpu.wait_indirect_dma semaphore(%arg12 : memref<!tpu.dma_semaphore, #tpu.memory_space<semaphore_mem>>) src(%dma_wait3A_55 : memref<10112x64xf32, #tpu.memory_space<hbm>>) dst(%arg9 : memref<128x64xf32, #tpu.memory_space<vmem>>)
      "tpu.region"() ({
        %run_scoped3A = tpu.sem_alloc : memref<!tpu.dma_semaphore, #tpu.memory_space<semaphore_mem>>
        %dma_start3A_68 = arith.constant 0 : i32
        %dma_start3A_69 = tpu.memref_slice %arg8[%add3A_25, %dma_start3A_68] : memref<158x128xi32, #tpu.memory_space<vmem>> -> memref<1x128xi32, #tpu.memory_space<vmem>>
        %dma_start3A_70 = tpu.memref_squeeze %dma_start3A_69 : memref<1x128xi32, #tpu.memory_space<vmem>> -> memref<128xi32, #tpu.memory_space<vmem>>
        %dma_start3A_71 = arith.constant 0 : i32
        %dma_start3A_72 = arith.constant 0 : i32
        %dma_start3A_73 = tpu.memref_slice %arg11[%dma_start3A_71, %dma_start3A_72] : memref<10112x64xf32, #tpu.memory_space<vmem_shared>> -> memref<10112x64xf32, #tpu.memory_space<vmem_shared>>
        tpu.enqueue_indirect_dma source(%arg9 : memref<128x64xf32, #tpu.memory_space<vmem>>) target(%dma_start3A_73 : memref<10112x64xf32, #tpu.memory_space<vmem_shared>>) offsets(%dma_start3A_70 : memref<128xi32, #tpu.memory_space<vmem>>) semaphore(%run_scoped3A : memref<!tpu.dma_semaphore, #tpu.memory_space<semaphore_mem>>) {add = true}
        %dma_wait3A_74 = arith.constant 0 : i32
        %dma_wait3A_75 = tpu.memref_slice %arg8[%add3A_25, %dma_wait3A_74] : memref<158x128xi32, #tpu.memory_space<vmem>> -> memref<1x128xi32, #tpu.memory_space<vmem>>
        %dma_wait3A_76 = tpu.memref_squeeze %dma_wait3A_75 : memref<1x128xi32, #tpu.memory_space<vmem>> -> memref<128xi32, #tpu.memory_space<vmem>>
        %dma_wait3A_77 = arith.constant 0 : i32
        %dma_wait3A_78 = arith.constant 0 : i32
        %dma_wait3A_79 = tpu.memref_slice %arg11[%dma_wait3A_77, %dma_wait3A_78] : memref<10112x64xf32, #tpu.memory_space<vmem_shared>> -> memref<10112x64xf32, #tpu.memory_space<vmem_shared>>
        tpu.wait_indirect_dma semaphore(%run_scoped3A : memref<!tpu.dma_semaphore, #tpu.memory_space<semaphore_mem>>) src(%arg9 : memref<128x64xf32, #tpu.memory_space<vmem>>) dst(%dma_wait3A_79 : memref<10112x64xf32, #tpu.memory_space<vmem_shared>>)
        tpu.yield
      }) : () -> ()
      %dma_wait3A_56 = arith.constant 0 : i32
      %dma_wait3A_57 = tpu.memref_slice %arg7[%add3A_36, %dma_wait3A_56] : memref<158x128xi32, #tpu.memory_space<vmem>> -> memref<1x128xi32, #tpu.memory_space<vmem>>
      %dma_wait3A_58 = tpu.memref_squeeze %dma_wait3A_57 : memref<1x128xi32, #tpu.memory_space<vmem>> -> memref<128xi32, #tpu.memory_space<vmem>>
      %dma_wait3A_59 = arith.constant 0 : i32
      %dma_wait3A_60 = arith.constant 0 : i32
      %dma_wait3A_61 = tpu.memref_slice %arg2[%arg0, %dma_wait3A_59, %dma_wait3A_60] : memref<2x10112x64xf32, #tpu.memory_space<hbm>> -> memref<1x10112x64xf32, #tpu.memory_space<hbm>>
      %dma_wait3A_62 = tpu.memref_squeeze %dma_wait3A_61 : memref<1x10112x64xf32, #tpu.memory_space<hbm>> -> memref<10112x64xf32, #tpu.memory_space<hbm>>
      %dma_wait3A_63 = arith.constant 0 : i32
      %dma_wait3A_64 = arith.constant 0 : i32
      %dma_wait3A_65 = tpu.memref_slice %dma_wait3A_62[%dma_wait3A_63, %dma_wait3A_64] : memref<10112x64xf32, #tpu.memory_space<hbm>> -> memref<10112x64xf32, #tpu.memory_space<hbm>>
      tpu.wait_indirect_dma semaphore(%arg12 : memref<!tpu.dma_semaphore, #tpu.memory_space<semaphore_mem>>) src(%dma_wait3A_65 : memref<10112x64xf32, #tpu.memory_space<hbm>>) dst(%arg10 : memref<128x64xf32, #tpu.memory_space<vmem>>)
      %add3A_66 = arith.constant 1 : i32
      %add3A_67 = arith.addi %add3A_25, %add3A_66 : i32
      "tpu.region"() ({
        %run_scoped3A = tpu.sem_alloc : memref<!tpu.dma_semaphore, #tpu.memory_space<semaphore_mem>>
        %dma_start3A_68 = arith.constant 0 : i32
        %dma_start3A_69 = tpu.memref_slice %arg8[%add3A_67, %dma_start3A_68] : memref<158x128xi32, #tpu.memory_space<vmem>> -> memref<1x128xi32, #tpu.memory_space<vmem>>
        %dma_start3A_70 = tpu.memref_squeeze %dma_start3A_69 : memref<1x128xi32, #tpu.memory_space<vmem>> -> memref<128xi32, #tpu.memory_space<vmem>>
        %dma_start3A_71 = arith.constant 0 : i32
        %dma_start3A_72 = arith.constant 0 : i32
        %dma_start3A_73 = tpu.memref_slice %arg11[%dma_start3A_71, %dma_start3A_72] : memref<10112x64xf32, #tpu.memory_space<vmem_shared>> -> memref<10112x64xf32, #tpu.memory_space<vmem_shared>>
        tpu.enqueue_indirect_dma source(%arg10 : memref<128x64xf32, #tpu.memory_space<vmem>>) target(%dma_start3A_73 : memref<10112x64xf32, #tpu.memory_space<vmem_shared>>) offsets(%dma_start3A_70 : memref<128xi32, #tpu.memory_space<vmem>>) semaphore(%run_scoped3A : memref<!tpu.dma_semaphore, #tpu.memory_space<semaphore_mem>>) {add = true}
        %dma_wait3A_74 = arith.constant 0 : i32
        %dma_wait3A_75 = tpu.memref_slice %arg8[%add3A_67, %dma_wait3A_74] : memref<158x128xi32, #tpu.memory_space<vmem>> -> memref<1x128xi32, #tpu.memory_space<vmem>>
        %dma_wait3A_76 = tpu.memref_squeeze %dma_wait3A_75 : memref<1x128xi32, #tpu.memory_space<vmem>> -> memref<128xi32, #tpu.memory_space<vmem>>
        %dma_wait3A_77 = arith.constant 0 : i32
        %dma_wait3A_78 = arith.constant 0 : i32
        %dma_wait3A_79 = tpu.memref_slice %arg11[%dma_wait3A_77, %dma_wait3A_78] : memref<10112x64xf32, #tpu.memory_space<vmem_shared>> -> memref<10112x64xf32, #tpu.memory_space<vmem_shared>>
        tpu.wait_indirect_dma semaphore(%run_scoped3A : memref<!tpu.dma_semaphore, #tpu.memory_space<semaphore_mem>>) src(%arg10 : memref<128x64xf32, #tpu.memory_space<vmem>>) dst(%dma_wait3A_79 : memref<10112x64xf32, #tpu.memory_space<vmem_shared>>)
        tpu.yield
      }) : () -> ()
    }
    %scan3A_10 = arith.constant 79 : i32
    %barrier3A_11 = arith.constant 0 : index
    tpu.barrier barrier_id(%barrier3A_11)
    %scan3A_12 = arith.constant 0 : i32
    %scan3A_13 = arith.constant 4 : i32
    %scan3A_14 = arith.addi %scan3A_12, %scan3A_13 : i32
    %scan3A_15 = arith.constant 1 : i32
    scf.for %scan3A_21 = %scan3A_12 to %scan3A_14 step %scan3A_15  : i32 {
      %mul3A_22 = arith.constant 1 : i32
      %mul3A_23 = arith.muli %scan3A_21, %mul3A_22 : i32
      %add3A_24 = arith.constant 0 : i32
      %add3A_25 = arith.addi %add3A_24, %mul3A_23 : i32
      %mul3A_26 = arith.constant 128 : i32
      %mul3A_27 = arith.muli %add3A_25, %mul3A_26 : i32
      %add3A_28 = arith.addi %mul3A_0, %mul3A_27 : i32
      "tpu.region"() ({
        %run_scoped3A = tpu.sem_alloc : memref<!tpu.dma_semaphore, #tpu.memory_space<semaphore_mem>>
        %dma_start3A = arith.constant 0 : i32
        %dma_start3A_32 = tpu.memref_slice %arg11[%add3A_28, %dma_start3A] : memref<10112x64xf32, #tpu.memory_space<vmem_shared>> -> memref<128x64xf32, #tpu.memory_space<vmem_shared>>
        %dma_start3A_33 = arith.constant 0 : i32
        %dma_start3A_34 = tpu.memref_slice %arg11[%add3A_28, %dma_start3A_33] : memref<10112x64xf32, #tpu.memory_space<vmem_shared>> -> memref<128x64xf32, #tpu.memory_space<vmem_shared>>
        tpu.enqueue_dma source(%dma_start3A_34 : memref<128x64xf32, #tpu.memory_space<vmem_shared>>) target(%arg9 : memref<128x64xf32, #tpu.memory_space<vmem>>) target_semaphore(%run_scoped3A : memref<!tpu.dma_semaphore, #tpu.memory_space<semaphore_mem>>)
        %dma_wait3A = arith.constant 0 : i32
        %dma_wait3A_35 = tpu.memref_slice %arg11[%add3A_28, %dma_wait3A] : memref<10112x64xf32, #tpu.memory_space<vmem_shared>> -> memref<128x64xf32, #tpu.memory_space<vmem_shared>>
        %dma_wait3A_36 = arith.constant 0 : i32
        %dma_wait3A_37 = tpu.memref_slice %arg11[%add3A_28, %dma_wait3A_36] : memref<10112x64xf32, #tpu.memory_space<vmem_shared>> -> memref<128x64xf32, #tpu.memory_space<vmem_shared>>
        tpu.wait_dma2 semaphore(%run_scoped3A : memref<!tpu.dma_semaphore, #tpu.memory_space<semaphore_mem>>) src(%dma_wait3A_37 : memref<128x64xf32, #tpu.memory_space<vmem_shared>>) dst(%arg9 : memref<128x64xf32, #tpu.memory_space<vmem>>)
        tpu.yield
      }) : () -> ()
      %mul3A_29 = arith.constant 128 : i32
      %mul3A_30 = arith.muli %add3A_25, %mul3A_29 : i32
      %add3A_31 = arith.addi %mul3A_0, %mul3A_30 : i32
      "tpu.region"() ({
        %run_scoped3A = tpu.sem_alloc : memref<!tpu.dma_semaphore, #tpu.memory_space<semaphore_mem>>
        %dma_start3A = arith.constant 0 : i32
        %dma_start3A_32 = tpu.memref_slice %arg6[%arg0, %add3A_31, %dma_start3A] : memref<2x10112x64xf32, #tpu.memory_space<hbm>> -> memref<1x128x64xf32, #tpu.memory_space<hbm>>
        %dma_start3A_33 = tpu.memref_squeeze %dma_start3A_32 : memref<1x128x64xf32, #tpu.memory_space<hbm>> -> memref<128x64xf32, #tpu.memory_space<hbm>>
        %dma_start3A_34 = arith.constant 0 : i32
        %dma_start3A_35 = tpu.memref_slice %arg6[%arg0, %add3A_31, %dma_start3A_34] : memref<2x10112x64xf32, #tpu.memory_space<hbm>> -> memref<1x128x64xf32, #tpu.memory_space<hbm>>
        %dma_start3A_36 = tpu.memref_squeeze %dma_start3A_35 : memref<1x128x64xf32, #tpu.memory_space<hbm>> -> memref<128x64xf32, #tpu.memory_space<hbm>>
        tpu.enqueue_dma source(%arg9 : memref<128x64xf32, #tpu.memory_space<vmem>>) target(%dma_start3A_36 : memref<128x64xf32, #tpu.memory_space<hbm>>) target_semaphore(%run_scoped3A : memref<!tpu.dma_semaphore, #tpu.memory_space<semaphore_mem>>)
        %dma_wait3A = arith.constant 0 : i32
        %dma_wait3A_37 = tpu.memref_slice %arg6[%arg0, %add3A_31, %dma_wait3A] : memref<2x10112x64xf32, #tpu.memory_space<hbm>> -> memref<1x128x64xf32, #tpu.memory_space<hbm>>
        %dma_wait3A_38 = tpu.memref_squeeze %dma_wait3A_37 : memref<1x128x64xf32, #tpu.memory_space<hbm>> -> memref<128x64xf32, #tpu.memory_space<hbm>>
        %dma_wait3A_39 = arith.constant 0 : i32
        %dma_wait3A_40 = tpu.memref_slice %arg6[%arg0, %add3A_31, %dma_wait3A_39] : memref<2x10112x64xf32, #tpu.memory_space<hbm>> -> memref<1x128x64xf32, #tpu.memory_space<hbm>>
        %dma_wait3A_41 = tpu.memref_squeeze %dma_wait3A_40 : memref<1x128x64xf32, #tpu.memory_space<hbm>> -> memref<128x64xf32, #tpu.memory_space<hbm>>
        tpu.wait_dma2 semaphore(%run_scoped3A : memref<!tpu.dma_semaphore, #tpu.memory_space<semaphore_mem>>) src(%arg9 : memref<128x64xf32, #tpu.memory_space<vmem>>) dst(%dma_wait3A_41 : memref<128x64xf32, #tpu.memory_space<hbm>>)
        tpu.yield
      }) : () -> ()
    }
    %scan3A_16 = arith.constant 4 : i32
    %add3A_17 = arith.constant 512 : i32
    %add3A_18 = arith.addi %mul3A_0, %add3A_17 : i32
    "tpu.region"() ({
      %run_scoped3A = tpu.sem_alloc : memref<!tpu.dma_semaphore, #tpu.memory_space<semaphore_mem>>
      %dma_start3A = arith.constant 0 : i32
      %dma_start3A_21 = arith.constant 0 : i32
      %dma_start3A_22 = tpu.memref_slice %arg9[%dma_start3A, %dma_start3A_21] : memref<128x64xf32, #tpu.memory_space<vmem>> -> memref<120x64xf32, #tpu.memory_space<vmem>>
      %dma_start3A_23 = arith.constant 0 : i32
      %dma_start3A_24 = tpu.memref_slice %arg11[%add3A_18, %dma_start3A_23] : memref<10112x64xf32, #tpu.memory_space<vmem_shared>> -> memref<120x64xf32, #tpu.memory_space<vmem_shared>>
      %dma_start3A_25 = arith.constant 0 : i32
      %dma_start3A_26 = arith.constant 0 : i32
      %dma_start3A_27 = tpu.memref_slice %arg9[%dma_start3A_25, %dma_start3A_26] : memref<128x64xf32, #tpu.memory_space<vmem>> -> memref<120x64xf32, #tpu.memory_space<vmem>>
      %dma_start3A_28 = arith.constant 0 : i32
      %dma_start3A_29 = tpu.memref_slice %arg11[%add3A_18, %dma_start3A_28] : memref<10112x64xf32, #tpu.memory_space<vmem_shared>> -> memref<120x64xf32, #tpu.memory_space<vmem_shared>>
      tpu.enqueue_dma source(%dma_start3A_29 : memref<120x64xf32, #tpu.memory_space<vmem_shared>>) target(%dma_start3A_27 : memref<120x64xf32, #tpu.memory_space<vmem>>) target_semaphore(%run_scoped3A : memref<!tpu.dma_semaphore, #tpu.memory_space<semaphore_mem>>)
      %dma_wait3A = arith.constant 0 : i32
      %dma_wait3A_30 = arith.constant 0 : i32
      %dma_wait3A_31 = tpu.memref_slice %arg9[%dma_wait3A, %dma_wait3A_30] : memref<128x64xf32, #tpu.memory_space<vmem>> -> memref<120x64xf32, #tpu.memory_space<vmem>>
      %dma_wait3A_32 = arith.constant 0 : i32
      %dma_wait3A_33 = tpu.memref_slice %arg11[%add3A_18, %dma_wait3A_32] : memref<10112x64xf32, #tpu.memory_space<vmem_shared>> -> memref<120x64xf32, #tpu.memory_space<vmem_shared>>
      %dma_wait3A_34 = arith.constant 0 : i32
      %dma_wait3A_35 = arith.constant 0 : i32
      %dma_wait3A_36 = tpu.memref_slice %arg9[%dma_wait3A_34, %dma_wait3A_35] : memref<128x64xf32, #tpu.memory_space<vmem>> -> memref<120x64xf32, #tpu.memory_space<vmem>>
      %dma_wait3A_37 = arith.constant 0 : i32
      %dma_wait3A_38 = tpu.memref_slice %arg11[%add3A_18, %dma_wait3A_37] : memref<10112x64xf32, #tpu.memory_space<vmem_shared>> -> memref<120x64xf32, #tpu.memory_space<vmem_shared>>
      tpu.wait_dma2 semaphore(%run_scoped3A : memref<!tpu.dma_semaphore, #tpu.memory_space<semaphore_mem>>) src(%dma_wait3A_38 : memref<120x64xf32, #tpu.memory_space<vmem_shared>>) dst(%dma_wait3A_36 : memref<120x64xf32, #tpu.memory_space<vmem>>)
      tpu.yield
    }) : () -> ()
    %add3A_19 = arith.constant 512 : i32
    %add3A_20 = arith.addi %mul3A_0, %add3A_19 : i32
    "tpu.region"() ({
      %run_scoped3A = tpu.sem_alloc : memref<!tpu.dma_semaphore, #tpu.memory_space<semaphore_mem>>
      %dma_start3A = arith.constant 0 : i32
      %dma_start3A_21 = arith.constant 0 : i32
      %dma_start3A_22 = tpu.memref_slice %arg9[%dma_start3A, %dma_start3A_21] : memref<128x64xf32, #tpu.memory_space<vmem>> -> memref<120x64xf32, #tpu.memory_space<vmem>>
      %dma_start3A_23 = arith.constant 0 : i32
      %dma_start3A_24 = tpu.memref_slice %arg6[%arg0, %add3A_20, %dma_start3A_23] : memref<2x10112x64xf32, #tpu.memory_space<hbm>> -> memref<1x120x64xf32, #tpu.memory_space<hbm>>
      %dma_start3A_25 = tpu.memref_squeeze %dma_start3A_24 : memref<1x120x64xf32, #tpu.memory_space<hbm>> -> memref<120x64xf32, #tpu.memory_space<hbm>>
      %dma_start3A_26 = arith.constant 0 : i32
      %dma_start3A_27 = tpu.memref_slice %arg6[%arg0, %add3A_20, %dma_start3A_26] : memref<2x10112x64xf32, #tpu.memory_space<hbm>> -> memref<1x120x64xf32, #tpu.memory_space<hbm>>
      %dma_start3A_28 = tpu.memref_squeeze %dma_start3A_27 : memref<1x120x64xf32, #tpu.memory_space<hbm>> -> memref<120x64xf32, #tpu.memory_space<hbm>>
      %dma_start3A_29 = arith.constant 0 : i32
      %dma_start3A_30 = arith.constant 0 : i32
      %dma_start3A_31 = tpu.memref_slice %arg9[%dma_start3A_29, %dma_start3A_30] : memref<128x64xf32, #tpu.memory_space<vmem>> -> memref<120x64xf32, #tpu.memory_space<vmem>>
      tpu.enqueue_dma source(%dma_start3A_31 : memref<120x64xf32, #tpu.memory_space<vmem>>) target(%dma_start3A_28 : memref<120x64xf32, #tpu.memory_space<hbm>>) target_semaphore(%run_scoped3A : memref<!tpu.dma_semaphore, #tpu.memory_space<semaphore_mem>>)
      %dma_wait3A = arith.constant 0 : i32
      %dma_wait3A_32 = arith.constant 0 : i32
      %dma_wait3A_33 = tpu.memref_slice %arg9[%dma_wait3A, %dma_wait3A_32] : memref<128x64xf32, #tpu.memory_space<vmem>> -> memref<120x64xf32, #tpu.memory_space<vmem>>
      %dma_wait3A_34 = arith.constant 0 : i32
      %dma_wait3A_35 = tpu.memref_slice %arg6[%arg0, %add3A_20, %dma_wait3A_34] : memref<2x10112x64xf32, #tpu.memory_space<hbm>> -> memref<1x120x64xf32, #tpu.memory_space<hbm>>
      %dma_wait3A_36 = tpu.memref_squeeze %dma_wait3A_35 : memref<1x120x64xf32, #tpu.memory_space<hbm>> -> memref<120x64xf32, #tpu.memory_space<hbm>>
      %dma_wait3A_37 = arith.constant 0 : i32
      %dma_wait3A_38 = tpu.memref_slice %arg6[%arg0, %add3A_20, %dma_wait3A_37] : memref<2x10112x64xf32, #tpu.memory_space<hbm>> -> memref<1x120x64xf32, #tpu.memory_space<hbm>>
      %dma_wait3A_39 = tpu.memref_squeeze %dma_wait3A_38 : memref<1x120x64xf32, #tpu.memory_space<hbm>> -> memref<120x64xf32, #tpu.memory_space<hbm>>
      %dma_wait3A_40 = arith.constant 0 : i32
      %dma_wait3A_41 = arith.constant 0 : i32
      %dma_wait3A_42 = tpu.memref_slice %arg9[%dma_wait3A_40, %dma_wait3A_41] : memref<128x64xf32, #tpu.memory_space<vmem>> -> memref<120x64xf32, #tpu.memory_space<vmem>>
      tpu.wait_dma2 semaphore(%run_scoped3A : memref<!tpu.dma_semaphore, #tpu.memory_space<semaphore_mem>>) src(%dma_wait3A_42 : memref<120x64xf32, #tpu.memory_space<vmem>>) dst(%dma_wait3A_39 : memref<120x64xf32, #tpu.memory_space<hbm>>)
      tpu.yield
    }) : () -> ()
    return
  }
}

#map = affine_map<(d0, d1) -> (0, 0, 0)>
#map1 = affine_map<(d0, d1) -> (0)>
module attributes {stable_mosaic.version = 14 : i64} {
  func.func @deg_kernel(%arg0: i32, %arg1: i32, %arg2: memref<32x79x128xi32, #tpu.memory_space<hbm>>, %arg3: memref<632xf32, #tpu.memory_space<hbm>>, %arg4: memref<20224xf32, #tpu.memory_space<hbm>>, %arg5: memref<79x128xi32, #tpu.memory_space<vmem>>, %arg6: memref<128xf32, #tpu.memory_space<vmem>>, %arg7: memref<632xf32, #tpu.memory_space<vmem>>, %arg8: memref<10112xf32, #tpu.memory_space<vmem_shared>>) attributes {dimension_semantics = [#tpu.dimension_semantics<core_parallel>, #tpu.dimension_semantics<subcore_parallel>], iteration_bounds = array<i64: 2, 16>, scalar_prefetch = 0 : i64, scratch_operands = 4 : i64, tpu.core_type = #tpu.core_type<sc_vector_subcore>, window_params = [{transform_indices = #map}, {transform_indices = #map1}, {transform_indices = #map1}]} {
    %mul3A = arith.constant 2 : i32
    %mul3A_0 = arith.muli %arg1, %mul3A : i32
    %add3A = arith.addi %mul3A_0, %arg0 : i32
    "tpu.region"() ({
      %run_scoped3A = tpu.sem_alloc : memref<!tpu.dma_semaphore, #tpu.memory_space<semaphore_mem>>
      %dma_start3A = arith.constant 0 : i32
      %dma_start3A_57 = arith.constant 0 : i32
      %dma_start3A_58 = tpu.memref_slice %arg2[%add3A, %dma_start3A, %dma_start3A_57] : memref<32x79x128xi32, #tpu.memory_space<hbm>> -> memref<1x79x128xi32, #tpu.memory_space<hbm>>
      %dma_start3A_59 = tpu.memref_squeeze %dma_start3A_58 : memref<1x79x128xi32, #tpu.memory_space<hbm>> -> memref<79x128xi32, #tpu.memory_space<hbm>>
      %dma_start3A_60 = arith.constant 0 : i32
      %dma_start3A_61 = arith.constant 0 : i32
      %dma_start3A_62 = tpu.memref_slice %arg2[%add3A, %dma_start3A_60, %dma_start3A_61] : memref<32x79x128xi32, #tpu.memory_space<hbm>> -> memref<1x79x128xi32, #tpu.memory_space<hbm>>
      %dma_start3A_63 = tpu.memref_squeeze %dma_start3A_62 : memref<1x79x128xi32, #tpu.memory_space<hbm>> -> memref<79x128xi32, #tpu.memory_space<hbm>>
      tpu.enqueue_dma source(%dma_start3A_63 : memref<79x128xi32, #tpu.memory_space<hbm>>) target(%arg5 : memref<79x128xi32, #tpu.memory_space<vmem>>) target_semaphore(%run_scoped3A : memref<!tpu.dma_semaphore, #tpu.memory_space<semaphore_mem>>)
      %dma_wait3A = arith.constant 0 : i32
      %dma_wait3A_64 = arith.constant 0 : i32
      %dma_wait3A_65 = tpu.memref_slice %arg2[%add3A, %dma_wait3A, %dma_wait3A_64] : memref<32x79x128xi32, #tpu.memory_space<hbm>> -> memref<1x79x128xi32, #tpu.memory_space<hbm>>
      %dma_wait3A_66 = tpu.memref_squeeze %dma_wait3A_65 : memref<1x79x128xi32, #tpu.memory_space<hbm>> -> memref<79x128xi32, #tpu.memory_space<hbm>>
      %dma_wait3A_67 = arith.constant 0 : i32
      %dma_wait3A_68 = arith.constant 0 : i32
      %dma_wait3A_69 = tpu.memref_slice %arg2[%add3A, %dma_wait3A_67, %dma_wait3A_68] : memref<32x79x128xi32, #tpu.memory_space<hbm>> -> memref<1x79x128xi32, #tpu.memory_space<hbm>>
      %dma_wait3A_70 = tpu.memref_squeeze %dma_wait3A_69 : memref<1x79x128xi32, #tpu.memory_space<hbm>> -> memref<79x128xi32, #tpu.memory_space<hbm>>
      tpu.wait_dma2 semaphore(%run_scoped3A : memref<!tpu.dma_semaphore, #tpu.memory_space<semaphore_mem>>) src(%dma_wait3A_70 : memref<79x128xi32, #tpu.memory_space<hbm>>) dst(%arg5 : memref<79x128xi32, #tpu.memory_space<vmem>>)
      tpu.yield
    }) : () -> ()
    %broadcast_in_dim3A = arith.constant 1.000000e+00 : f32
    %broadcast_in_dim3A_1 = vector.broadcast %broadcast_in_dim3A : f32 to vector<16xf32>
    %swap3A = arith.constant 0 : index
    %swap3A_2 = tpu.vector_load %arg6[%swap3A] {strides = array<i32>} : memref<128xf32, #tpu.memory_space<vmem>>, vector<16xf32>,
    %swap3A_3 = vector.shape_cast %swap3A_2 : vector<16xf32> to vector<16xf32>
    %swap3A_4 = vector.shape_cast %broadcast_in_dim3A_1 : vector<16xf32> to vector<16xf32>
    tpu.vector_store %arg6[%swap3A], %swap3A_4 {strides = array<i32>} : memref<128xf32, #tpu.memory_space<vmem>>, vector<16xf32>,
    %broadcast_in_dim3A_5 = arith.constant 1.000000e+00 : f32
    %broadcast_in_dim3A_6 = vector.broadcast %broadcast_in_dim3A_5 : f32 to vector<16xf32>
    %swap3A_7 = arith.constant 16 : index
    %swap3A_8 = tpu.vector_load %arg6[%swap3A_7] {strides = array<i32>} : memref<128xf32, #tpu.memory_space<vmem>>, vector<16xf32>,
    %swap3A_9 = vector.shape_cast %swap3A_8 : vector<16xf32> to vector<16xf32>
    %swap3A_10 = vector.shape_cast %broadcast_in_dim3A_6 : vector<16xf32> to vector<16xf32>
    tpu.vector_store %arg6[%swap3A_7], %swap3A_10 {strides = array<i32>} : memref<128xf32, #tpu.memory_space<vmem>>, vector<16xf32>,
    %broadcast_in_dim3A_11 = arith.constant 1.000000e+00 : f32
    %broadcast_in_dim3A_12 = vector.broadcast %broadcast_in_dim3A_11 : f32 to vector<16xf32>
    %swap3A_13 = arith.constant 32 : index
    %swap3A_14 = tpu.vector_load %arg6[%swap3A_13] {strides = array<i32>} : memref<128xf32, #tpu.memory_space<vmem>>, vector<16xf32>,
    %swap3A_15 = vector.shape_cast %swap3A_14 : vector<16xf32> to vector<16xf32>
    %swap3A_16 = vector.shape_cast %broadcast_in_dim3A_12 : vector<16xf32> to vector<16xf32>
    tpu.vector_store %arg6[%swap3A_13], %swap3A_16 {strides = array<i32>} : memref<128xf32, #tpu.memory_space<vmem>>, vector<16xf32>,
    %broadcast_in_dim3A_17 = arith.constant 1.000000e+00 : f32
    %broadcast_in_dim3A_18 = vector.broadcast %broadcast_in_dim3A_17 : f32 to vector<16xf32>
    %swap3A_19 = arith.constant 48 : index
    %swap3A_20 = tpu.vector_load %arg6[%swap3A_19] {strides = array<i32>} : memref<128xf32, #tpu.memory_space<vmem>>, vector<16xf32>,
    %swap3A_21 = vector.shape_cast %swap3A_20 : vector<16xf32> to vector<16xf32>
    %swap3A_22 = vector.shape_cast %broadcast_in_dim3A_18 : vector<16xf32> to vector<16xf32>
    tpu.vector_store %arg6[%swap3A_19], %swap3A_22 {strides = array<i32>} : memref<128xf32, #tpu.memory_space<vmem>>, vector<16xf32>,
    %broadcast_in_dim3A_23 = arith.constant 1.000000e+00 : f32
    %broadcast_in_dim3A_24 = vector.broadcast %broadcast_in_dim3A_23 : f32 to vector<16xf32>
    %swap3A_25 = arith.constant 64 : index
    %swap3A_26 = tpu.vector_load %arg6[%swap3A_25] {strides = array<i32>} : memref<128xf32, #tpu.memory_space<vmem>>, vector<16xf32>,
    %swap3A_27 = vector.shape_cast %swap3A_26 : vector<16xf32> to vector<16xf32>
    %swap3A_28 = vector.shape_cast %broadcast_in_dim3A_24 : vector<16xf32> to vector<16xf32>
    tpu.vector_store %arg6[%swap3A_25], %swap3A_28 {strides = array<i32>} : memref<128xf32, #tpu.memory_space<vmem>>, vector<16xf32>,
    %broadcast_in_dim3A_29 = arith.constant 1.000000e+00 : f32
    %broadcast_in_dim3A_30 = vector.broadcast %broadcast_in_dim3A_29 : f32 to vector<16xf32>
    %swap3A_31 = arith.constant 80 : index
    %swap3A_32 = tpu.vector_load %arg6[%swap3A_31] {strides = array<i32>} : memref<128xf32, #tpu.memory_space<vmem>>, vector<16xf32>,
    %swap3A_33 = vector.shape_cast %swap3A_32 : vector<16xf32> to vector<16xf32>
    %swap3A_34 = vector.shape_cast %broadcast_in_dim3A_30 : vector<16xf32> to vector<16xf32>
    tpu.vector_store %arg6[%swap3A_31], %swap3A_34 {strides = array<i32>} : memref<128xf32, #tpu.memory_space<vmem>>, vector<16xf32>,
    %broadcast_in_dim3A_35 = arith.constant 1.000000e+00 : f32
    %broadcast_in_dim3A_36 = vector.broadcast %broadcast_in_dim3A_35 : f32 to vector<16xf32>
    %swap3A_37 = arith.constant 96 : index
    %swap3A_38 = tpu.vector_load %arg6[%swap3A_37] {strides = array<i32>} : memref<128xf32, #tpu.memory_space<vmem>>, vector<16xf32>,
    %swap3A_39 = vector.shape_cast %swap3A_38 : vector<16xf32> to vector<16xf32>
    %swap3A_40 = vector.shape_cast %broadcast_in_dim3A_36 : vector<16xf32> to vector<16xf32>
    tpu.vector_store %arg6[%swap3A_37], %swap3A_40 {strides = array<i32>} : memref<128xf32, #tpu.memory_space<vmem>>, vector<16xf32>,
    %broadcast_in_dim3A_41 = arith.constant 1.000000e+00 : f32
    %broadcast_in_dim3A_42 = vector.broadcast %broadcast_in_dim3A_41 : f32 to vector<16xf32>
    %swap3A_43 = arith.constant 112 : index
    %swap3A_44 = tpu.vector_load %arg6[%swap3A_43] {strides = array<i32>} : memref<128xf32, #tpu.memory_space<vmem>>, vector<16xf32>,
    %swap3A_45 = vector.shape_cast %swap3A_44 : vector<16xf32> to vector<16xf32>
    %swap3A_46 = vector.shape_cast %broadcast_in_dim3A_42 : vector<16xf32> to vector<16xf32>
    tpu.vector_store %arg6[%swap3A_43], %swap3A_46 {strides = array<i32>} : memref<128xf32, #tpu.memory_space<vmem>>, vector<16xf32>,
    %mul3A_47 = arith.constant 632 : i32
    %mul3A_48 = arith.muli %arg1, %mul3A_47 : i32
    "tpu.region"() ({
      %run_scoped3A = tpu.sem_alloc : memref<!tpu.dma_semaphore, #tpu.memory_space<semaphore_mem>>
      tpu.enqueue_dma source(%arg3 : memref<632xf32, #tpu.memory_space<hbm>>) target(%arg7 : memref<632xf32, #tpu.memory_space<vmem>>) target_semaphore(%run_scoped3A : memref<!tpu.dma_semaphore, #tpu.memory_space<semaphore_mem>>)
      tpu.wait_dma2 semaphore(%run_scoped3A : memref<!tpu.dma_semaphore, #tpu.memory_space<semaphore_mem>>) src(%arg3 : memref<632xf32, #tpu.memory_space<hbm>>) dst(%arg7 : memref<632xf32, #tpu.memory_space<vmem>>)
      tpu.yield
    }) : () -> ()
    "tpu.region"() ({
      %run_scoped3A = tpu.sem_alloc : memref<!tpu.dma_semaphore, #tpu.memory_space<semaphore_mem>>
      %dma_start3A = tpu.memref_slice %arg8[%mul3A_48] : memref<10112xf32, #tpu.memory_space<vmem_shared>> -> memref<632xf32, #tpu.memory_space<vmem_shared>>
      %dma_start3A_57 = tpu.memref_slice %arg8[%mul3A_48] : memref<10112xf32, #tpu.memory_space<vmem_shared>> -> memref<632xf32, #tpu.memory_space<vmem_shared>>
      tpu.enqueue_dma source(%arg7 : memref<632xf32, #tpu.memory_space<vmem>>) target(%dma_start3A_57 : memref<632xf32, #tpu.memory_space<vmem_shared>>) target_semaphore(%run_scoped3A : memref<!tpu.dma_semaphore, #tpu.memory_space<semaphore_mem>>)
      %dma_wait3A = tpu.memref_slice %arg8[%mul3A_48] : memref<10112xf32, #tpu.memory_space<vmem_shared>> -> memref<632xf32, #tpu.memory_space<vmem_shared>>
      %dma_wait3A_58 = tpu.memref_slice %arg8[%mul3A_48] : memref<10112xf32, #tpu.memory_space<vmem_shared>> -> memref<632xf32, #tpu.memory_space<vmem_shared>>
      tpu.wait_dma2 semaphore(%run_scoped3A : memref<!tpu.dma_semaphore, #tpu.memory_space<semaphore_mem>>) src(%arg7 : memref<632xf32, #tpu.memory_space<vmem>>) dst(%dma_wait3A_58 : memref<632xf32, #tpu.memory_space<vmem_shared>>)
      tpu.yield
    }) : () -> ()
    %barrier3A = arith.constant 0 : index
    tpu.barrier barrier_id(%barrier3A)
    %scan3A = arith.constant 0 : i32
    %scan3A_49 = arith.constant 79 : i32
    %scan3A_50 = arith.addi %scan3A, %scan3A_49 : i32
    %scan3A_51 = arith.constant 1 : i32
    scf.for %scan3A_57 = %scan3A to %scan3A_50 step %scan3A_51  : i32 {
      %mul3A_58 = arith.constant 1 : i32
      %mul3A_59 = arith.muli %scan3A_57, %mul3A_58 : i32
      %add3A_60 = arith.constant 0 : i32
      %add3A_61 = arith.addi %add3A_60, %mul3A_59 : i32
      "tpu.region"() ({
        %run_scoped3A = tpu.sem_alloc : memref<!tpu.dma_semaphore, #tpu.memory_space<semaphore_mem>>
        %dma_start3A = arith.constant 0 : i32
        %dma_start3A_62 = tpu.memref_slice %arg5[%add3A_61, %dma_start3A] : memref<79x128xi32, #tpu.memory_space<vmem>> -> memref<1x128xi32, #tpu.memory_space<vmem>>
        %dma_start3A_63 = tpu.memref_squeeze %dma_start3A_62 : memref<1x128xi32, #tpu.memory_space<vmem>> -> memref<128xi32, #tpu.memory_space<vmem>>
        %dma_start3A_64 = arith.constant 0 : i32
        %dma_start3A_65 = tpu.memref_slice %arg8[%dma_start3A_64] : memref<10112xf32, #tpu.memory_space<vmem_shared>> -> memref<10112xf32, #tpu.memory_space<vmem_shared>>
        tpu.enqueue_indirect_dma source(%arg6 : memref<128xf32, #tpu.memory_space<vmem>>) target(%dma_start3A_65 : memref<10112xf32, #tpu.memory_space<vmem_shared>>) offsets(%dma_start3A_63 : memref<128xi32, #tpu.memory_space<vmem>>) semaphore(%run_scoped3A : memref<!tpu.dma_semaphore, #tpu.memory_space<semaphore_mem>>) {add = true}
        %dma_wait3A = arith.constant 0 : i32
        %dma_wait3A_66 = tpu.memref_slice %arg5[%add3A_61, %dma_wait3A] : memref<79x128xi32, #tpu.memory_space<vmem>> -> memref<1x128xi32, #tpu.memory_space<vmem>>
        %dma_wait3A_67 = tpu.memref_squeeze %dma_wait3A_66 : memref<1x128xi32, #tpu.memory_space<vmem>> -> memref<128xi32, #tpu.memory_space<vmem>>
        %dma_wait3A_68 = arith.constant 0 : i32
        %dma_wait3A_69 = tpu.memref_slice %arg8[%dma_wait3A_68] : memref<10112xf32, #tpu.memory_space<vmem_shared>> -> memref<10112xf32, #tpu.memory_space<vmem_shared>>
        tpu.wait_indirect_dma semaphore(%run_scoped3A : memref<!tpu.dma_semaphore, #tpu.memory_space<semaphore_mem>>) src(%arg6 : memref<128xf32, #tpu.memory_space<vmem>>) dst(%dma_wait3A_69 : memref<10112xf32, #tpu.memory_space<vmem_shared>>)
        tpu.yield
      }) : () -> ()
    }
    %scan3A_52 = arith.constant 79 : i32
    %barrier3A_53 = arith.constant 0 : index
    tpu.barrier barrier_id(%barrier3A_53)
    "tpu.region"() ({
      %run_scoped3A = tpu.sem_alloc : memref<!tpu.dma_semaphore, #tpu.memory_space<semaphore_mem>>
      %dma_start3A = tpu.memref_slice %arg8[%mul3A_48] : memref<10112xf32, #tpu.memory_space<vmem_shared>> -> memref<632xf32, #tpu.memory_space<vmem_shared>>
      %dma_start3A_57 = tpu.memref_slice %arg8[%mul3A_48] : memref<10112xf32, #tpu.memory_space<vmem_shared>> -> memref<632xf32, #tpu.memory_space<vmem_shared>>
      tpu.enqueue_dma source(%dma_start3A_57 : memref<632xf32, #tpu.memory_space<vmem_shared>>) target(%arg7 : memref<632xf32, #tpu.memory_space<vmem>>) target_semaphore(%run_scoped3A : memref<!tpu.dma_semaphore, #tpu.memory_space<semaphore_mem>>)
      %dma_wait3A = tpu.memref_slice %arg8[%mul3A_48] : memref<10112xf32, #tpu.memory_space<vmem_shared>> -> memref<632xf32, #tpu.memory_space<vmem_shared>>
      %dma_wait3A_58 = tpu.memref_slice %arg8[%mul3A_48] : memref<10112xf32, #tpu.memory_space<vmem_shared>> -> memref<632xf32, #tpu.memory_space<vmem_shared>>
      tpu.wait_dma2 semaphore(%run_scoped3A : memref<!tpu.dma_semaphore, #tpu.memory_space<semaphore_mem>>) src(%dma_wait3A_58 : memref<632xf32, #tpu.memory_space<vmem_shared>>) dst(%arg7 : memref<632xf32, #tpu.memory_space<vmem>>)
      tpu.yield
    }) : () -> ()
    %mul3A_54 = arith.constant 10112 : i32
    %mul3A_55 = arith.muli %arg0, %mul3A_54 : i32
    %add3A_56 = arith.addi %mul3A_55, %mul3A_48 : i32
    "tpu.region"() ({
      %run_scoped3A = tpu.sem_alloc : memref<!tpu.dma_semaphore, #tpu.memory_space<semaphore_mem>>
      %dma_start3A = tpu.memref_slice %arg4[%add3A_56] : memref<20224xf32, #tpu.memory_space<hbm>> -> memref<632xf32, #tpu.memory_space<hbm>>
      %dma_start3A_57 = tpu.memref_slice %arg4[%add3A_56] : memref<20224xf32, #tpu.memory_space<hbm>> -> memref<632xf32, #tpu.memory_space<hbm>>
      tpu.enqueue_dma source(%arg7 : memref<632xf32, #tpu.memory_space<vmem>>) target(%dma_start3A_57 : memref<632xf32, #tpu.memory_space<hbm>>) target_semaphore(%run_scoped3A : memref<!tpu.dma_semaphore, #tpu.memory_space<semaphore_mem>>)
      %dma_wait3A = tpu.memref_slice %arg4[%add3A_56] : memref<20224xf32, #tpu.memory_space<hbm>> -> memref<632xf32, #tpu.memory_space<hbm>>
      %dma_wait3A_58 = tpu.memref_slice %arg4[%add3A_56] : memref<20224xf32, #tpu.memory_space<hbm>> -> memref<632xf32, #tpu.memory_space<hbm>>
      tpu.wait_dma2 semaphore(%run_scoped3A : memref<!tpu.dma_semaphore, #tpu.memory_space<semaphore_mem>>) src(%arg7 : memref<632xf32, #tpu.memory_space<vmem>>) dst(%dma_wait3A_58 : memref<632xf32, #tpu.memory_space<hbm>>)
      tpu.yield
    }) : () -> ()
    return
  }
}

module attributes {stable_mosaic.version = 14 : i64} {
  func.func @_mlp_body(%arg0: memref<10000x128xf32, #tpu.memory_space<vmem>>, %arg1: memref<128x128xf32, #tpu.memory_space<vmem>>, %arg2: memref<1x128xf32, #tpu.memory_space<vmem>>, %arg3: memref<1x128xf32, #tpu.memory_space<vmem>>, %arg4: memref<1x128xf32, #tpu.memory_space<vmem>>, %arg5: memref<128x128xf32, #tpu.memory_space<vmem>>, %arg6: memref<10000x128xf32, #tpu.memory_space<vmem>>) attributes {dimension_semantics = [], scalar_prefetch = 0 : i64, scratch_operands = 0 : i64, tpu.core_type = #tpu.core_type<tc>} {
    %get3A = arith.constant 0 : index
    %get3A_0 = arith.constant 0 : index
    %get3A_1 = vector.load %arg0[%get3A, %get3A_0] : memref<10000x128xf32, #tpu.memory_space<vmem>>, vector<10000x128xf32>
    %get3A_2 = arith.constant 0 : index
    %get3A_3 = arith.constant 0 : index
    %get3A_4 = vector.load %arg1[%get3A_2, %get3A_3] : memref<128x128xf32, #tpu.memory_space<vmem>>, vector<128x128xf32>
    %dot_general3A = arith.constant dense<0.000000e+00> : vector<10000x128xf32>
    %dot_general3A_5 = tpu.matmul %get3A_1, %get3A_4, %dot_general3A {dimension_numbers = #tpu.dot_dimension_numbers<[1], [0], [0], [1], [0, 0, 1, 1], [], []>, transpose_lhs_hint = false} : vector<10000x128xf32>, vector<128x128xf32>, vector<10000x128xf32> -> vector<10000x128xf32>
    %get3A_6 = arith.constant 0 : index
    %get3A_7 = arith.constant 0 : index
    %get3A_8 = vector.load %arg2[%get3A_6, %get3A_7] : memref<1x128xf32, #tpu.memory_space<vmem>>, vector<1x128xf32>
    %add3A = vector.broadcast %get3A_8 : vector<1x128xf32> to vector<10000x128xf32>
    %add3A_9 = arith.addf %dot_general3A_5, %add3A : vector<10000x128xf32>
    %reduce_sum3A = arith.constant dense<0.000000e+00> : vector<128xf32>
    %reduce_sum3A_10 = vector.multi_reduction <add>, %add3A_9, %reduce_sum3A [0] : vector<10000x128xf32> to vector<128xf32>
    %broadcast_in_dim3A = vector.shape_cast %reduce_sum3A_10 : vector<128xf32> to vector<1x128xf32>
    %div3A = arith.constant 1.000000e+04 : f32
    %div3A_11 = vector.broadcast %div3A : f32 to vector<1x128xf32>
    %div3A_12 = arith.divf %broadcast_in_dim3A, %div3A_11 : vector<1x128xf32>
    %sub3A = vector.broadcast %div3A_12 : vector<1x128xf32> to vector<10000x128xf32>
    %sub3A_13 = arith.subf %add3A_9, %sub3A : vector<10000x128xf32>
    %mul3A = arith.mulf %sub3A_13, %sub3A_13 : vector<10000x128xf32>
    %reduce_sum3A_14 = arith.constant dense<0.000000e+00> : vector<128xf32>
    %reduce_sum3A_15 = vector.multi_reduction <add>, %mul3A, %reduce_sum3A_14 [0] : vector<10000x128xf32> to vector<128xf32>
    %broadcast_in_dim3A_16 = vector.shape_cast %reduce_sum3A_15 : vector<128xf32> to vector<1x128xf32>
    %div3A_17 = arith.constant 1.000000e+04 : f32
    %div3A_18 = vector.broadcast %div3A_17 : f32 to vector<1x128xf32>
    %div3A_19 = arith.divf %broadcast_in_dim3A_16, %div3A_18 : vector<1x128xf32>
    %get3A_20 = arith.constant 0 : index
    %get3A_21 = arith.constant 0 : index
    %get3A_22 = vector.load %arg3[%get3A_20, %get3A_21] : memref<1x128xf32, #tpu.memory_space<vmem>>, vector<1x128xf32>
    %mul3A_23 = vector.broadcast %get3A_22 : vector<1x128xf32> to vector<10000x128xf32>
    %mul3A_24 = arith.mulf %mul3A_23, %sub3A_13 : vector<10000x128xf32>
    %add3A_25 = arith.constant 9.99999974E-6 : f32
    %add3A_26 = vector.broadcast %add3A_25 : f32 to vector<1x128xf32>
    %add3A_27 = arith.addf %div3A_19, %add3A_26 : vector<1x128xf32>
    %rsqrt3A = math.rsqrt %add3A_27 : vector<1x128xf32>
    %mul3A_28 = vector.broadcast %rsqrt3A : vector<1x128xf32> to vector<10000x128xf32>
    %mul3A_29 = arith.mulf %mul3A_24, %mul3A_28 : vector<10000x128xf32>
    %get3A_30 = arith.constant 0 : index
    %get3A_31 = arith.constant 0 : index
    %get3A_32 = vector.load %arg4[%get3A_30, %get3A_31] : memref<1x128xf32, #tpu.memory_space<vmem>>, vector<1x128xf32>
    %add3A_33 = vector.broadcast %get3A_32 : vector<1x128xf32> to vector<10000x128xf32>
    %add3A_34 = arith.addf %mul3A_29, %add3A_33 : vector<10000x128xf32>
    %max3A = arith.constant 0.000000e+00 : f32
    %max3A_35 = vector.broadcast %max3A : f32 to vector<10000x128xf32>
    %max3A_36 = arith.maximumf %add3A_34, %max3A_35 : vector<10000x128xf32>
    %get3A_37 = arith.constant 0 : index
    %get3A_38 = arith.constant 0 : index
    %get3A_39 = vector.load %arg5[%get3A_37, %get3A_38] : memref<128x128xf32, #tpu.memory_space<vmem>>, vector<128x128xf32>
    %dot_general3A_40 = arith.constant dense<0.000000e+00> : vector<10000x128xf32>
    %dot_general3A_41 = tpu.matmul %max3A_36, %get3A_39, %dot_general3A_40 {dimension_numbers = #tpu.dot_dimension_numbers<[1], [0], [0], [1], [0, 0, 1, 1], [], []>, transpose_lhs_hint = false} : vector<10000x128xf32>, vector<128x128xf32>, vector<10000x128xf32> -> vector<10000x128xf32>
    %swap3A = arith.constant 0 : index
    %swap3A_42 = arith.constant 0 : index
    %swap3A_43 = vector.load %arg6[%swap3A, %swap3A_42] : memref<10000x128xf32, #tpu.memory_space<vmem>>, vector<10000x128xf32>
    tpu.vector_store %arg6[%swap3A, %swap3A_42], %dot_general3A_41 {strides = array<i32>} : memref<10000x128xf32, #tpu.memory_space<vmem>>, vector<10000x128xf32>,
    return
  }
}

module attributes {stable_mosaic.version = 14 : i64} {
  func.func @_scale_body(%arg0: memref<10000x128xf32, #tpu.memory_space<vmem>>, %arg1: memref<2x10112x1xf32, #tpu.memory_space<vmem>>, %arg2: memref<2x10112x64xf32, #tpu.memory_space<vmem>>, %arg3: memref<10112x1xf32, #tpu.memory_space<vmem>>) attributes {dimension_semantics = [], scalar_prefetch = 0 : i64, scratch_operands = 0 : i64, tpu.core_type = #tpu.core_type<tc>} {
    %get3A = arith.constant 0 : index
    %get3A_0 = arith.constant 0 : index
    %get3A_1 = arith.constant 0 : index
    %get3A_2 = vector.load %arg1[%get3A, %get3A_0, %get3A_1] : memref<2x10112x1xf32, #tpu.memory_space<vmem>>, vector<1x10112x1xf32>
    %get3A_3 = vector.shape_cast %get3A_2 : vector<1x10112x1xf32> to vector<10112x1xf32>
    %get3A_4 = arith.constant 1 : index
    %get3A_5 = arith.constant 0 : index
    %get3A_6 = arith.constant 0 : index
    %get3A_7 = vector.load %arg1[%get3A_4, %get3A_5, %get3A_6] : memref<2x10112x1xf32, #tpu.memory_space<vmem>>, vector<1x10112x1xf32>
    %get3A_8 = vector.shape_cast %get3A_7 : vector<1x10112x1xf32> to vector<10112x1xf32>
    %add3A = arith.addf %get3A_3, %get3A_8 : vector<10112x1xf32>
    %add3A_9 = arith.constant 1.000000e+00 : f32
    %add3A_10 = vector.broadcast %add3A_9 : f32 to vector<10112x1xf32>
    %add3A_11 = arith.addf %add3A, %add3A_10 : vector<10112x1xf32>
    %rsqrt3A = math.rsqrt %add3A_11 : vector<10112x1xf32>
    %swap3A = arith.constant 0 : index
    %swap3A_12 = arith.constant 0 : index
    %swap3A_13 = vector.load %arg3[%swap3A, %swap3A_12] : memref<10112x1xf32, #tpu.memory_space<vmem>>, vector<10112x1xf32>
    tpu.vector_store %arg3[%swap3A, %swap3A_12], %rsqrt3A {strides = array<i32>} : memref<10112x1xf32, #tpu.memory_space<vmem>>, vector<10112x1xf32>,
    %get3A_14 = arith.constant 0 : index
    %get3A_15 = arith.constant 0 : index
    %get3A_16 = vector.load %arg0[%get3A_14, %get3A_15] : memref<10000x128xf32, #tpu.memory_space<vmem>>, vector<10000x128xf32>
    %slice3A = vector.extract_strided_slice %rsqrt3A {offsets = [0, 0], sizes = [10000, 1], strides = [1, 1]} : vector<10112x1xf32> to vector<10000x1xf32>
    %mul3A = vector.broadcast %slice3A : vector<10000x1xf32> to vector<10000x128xf32>
    %mul3A_17 = arith.mulf %get3A_16, %mul3A : vector<10000x128xf32>
    %slice3A_18 = vector.extract_strided_slice %mul3A_17 {offsets = [0, 0], sizes = [10000, 64], strides = [1, 1]} : vector<10000x128xf32> to vector<10000x64xf32>
    %swap3A_19 = arith.constant 0 : index
    %swap3A_20 = arith.constant 0 : index
    %swap3A_21 = arith.constant 0 : index
    %swap3A_22 = vector.load %arg2[%swap3A_19, %swap3A_20, %swap3A_21] : memref<2x10112x64xf32, #tpu.memory_space<vmem>>, vector<1x10000x64xf32>
    %swap3A_23 = vector.shape_cast %swap3A_22 : vector<1x10000x64xf32> to vector<10000x64xf32>
    %swap3A_24 = vector.shape_cast %slice3A_18 : vector<10000x64xf32> to vector<1x10000x64xf32>
    tpu.vector_store %arg2[%swap3A_19, %swap3A_20, %swap3A_21], %swap3A_24 {strides = array<i32>} : memref<2x10112x64xf32, #tpu.memory_space<vmem>>, vector<1x10000x64xf32>,
    %slice3A_25 = vector.extract_strided_slice %mul3A_17 {offsets = [0, 64], sizes = [10000, 64], strides = [1, 1]} : vector<10000x128xf32> to vector<10000x64xf32>
    %swap3A_26 = arith.constant 1 : index
    %swap3A_27 = arith.constant 0 : index
    %swap3A_28 = arith.constant 0 : index
    %swap3A_29 = vector.load %arg2[%swap3A_26, %swap3A_27, %swap3A_28] : memref<2x10112x64xf32, #tpu.memory_space<vmem>>, vector<1x10000x64xf32>
    %swap3A_30 = vector.shape_cast %swap3A_29 : vector<1x10000x64xf32> to vector<10000x64xf32>
    %swap3A_31 = vector.shape_cast %slice3A_25 : vector<10000x64xf32> to vector<1x10000x64xf32>
    tpu.vector_store %arg2[%swap3A_26, %swap3A_27, %swap3A_28], %swap3A_31 {strides = array<i32>} : memref<2x10112x64xf32, #tpu.memory_space<vmem>>, vector<1x10000x64xf32>,
    %broadcast_in_dim3A = arith.constant 0.000000e+00 : f32
    %broadcast_in_dim3A_32 = vector.broadcast %broadcast_in_dim3A : f32 to vector<112x64xf32>
    %swap3A_33 = arith.constant 0 : index
    %swap3A_34 = arith.constant 10000 : index
    %swap3A_35 = arith.constant 0 : index
    %swap3A_36 = vector.load %arg2[%swap3A_33, %swap3A_34, %swap3A_35] : memref<2x10112x64xf32, #tpu.memory_space<vmem>>, vector<1x112x64xf32>
    %swap3A_37 = vector.shape_cast %swap3A_36 : vector<1x112x64xf32> to vector<112x64xf32>
    %swap3A_38 = vector.shape_cast %broadcast_in_dim3A_32 : vector<112x64xf32> to vector<1x112x64xf32>
    tpu.vector_store %arg2[%swap3A_33, %swap3A_34, %swap3A_35], %swap3A_38 {strides = array<i32>} : memref<2x10112x64xf32, #tpu.memory_space<vmem>>, vector<1x112x64xf32>,
    %broadcast_in_dim3A_39 = arith.constant 0.000000e+00 : f32
    %broadcast_in_dim3A_40 = vector.broadcast %broadcast_in_dim3A_39 : f32 to vector<112x64xf32>
    %swap3A_41 = arith.constant 1 : index
    %swap3A_42 = arith.constant 10000 : index
    %swap3A_43 = arith.constant 0 : index
    %swap3A_44 = vector.load %arg2[%swap3A_41, %swap3A_42, %swap3A_43] : memref<2x10112x64xf32, #tpu.memory_space<vmem>>, vector<1x112x64xf32>
    %swap3A_45 = vector.shape_cast %swap3A_44 : vector<1x112x64xf32> to vector<112x64xf32>
    %swap3A_46 = vector.shape_cast %broadcast_in_dim3A_40 : vector<112x64xf32> to vector<1x112x64xf32>
    tpu.vector_store %arg2[%swap3A_41, %swap3A_42, %swap3A_43], %swap3A_46 {strides = array<i32>} : memref<2x10112x64xf32, #tpu.memory_space<vmem>>, vector<1x112x64xf32>,
    return
  }
}

module attributes {stable_mosaic.version = 14 : i64} {
  func.func @_final_body(%arg0: memref<2x10112x64xf32, #tpu.memory_space<vmem>>, %arg1: memref<2x10112x64xf32, #tpu.memory_space<vmem>>, %arg2: memref<10112x1xf32, #tpu.memory_space<vmem>>, %arg3: memref<1x128xf32, #tpu.memory_space<vmem>>, %arg4: memref<1x128xf32, #tpu.memory_space<vmem>>, %arg5: memref<1x128xf32, #tpu.memory_space<vmem>>, %arg6: memref<10000x128xf32, #tpu.memory_space<vmem>>) attributes {dimension_semantics = [], scalar_prefetch = 0 : i64, scratch_operands = 0 : i64, tpu.core_type = #tpu.core_type<tc>} {
    %get3A = arith.constant 0 : index
    %get3A_0 = arith.constant 0 : index
    %get3A_1 = arith.constant 0 : index
    %get3A_2 = vector.load %arg0[%get3A, %get3A_0, %get3A_1] : memref<2x10112x64xf32, #tpu.memory_space<vmem>>, vector<1x10000x64xf32>
    %get3A_3 = vector.shape_cast %get3A_2 : vector<1x10000x64xf32> to vector<10000x64xf32>
    %get3A_4 = arith.constant 0 : index
    %get3A_5 = arith.constant 0 : index
    %get3A_6 = arith.constant 0 : index
    %get3A_7 = vector.load %arg1[%get3A_4, %get3A_5, %get3A_6] : memref<2x10112x64xf32, #tpu.memory_space<vmem>>, vector<1x10000x64xf32>
    %get3A_8 = vector.shape_cast %get3A_7 : vector<1x10000x64xf32> to vector<10000x64xf32>
    %add3A = arith.addf %get3A_3, %get3A_8 : vector<10000x64xf32>
    %get3A_9 = arith.constant 1 : index
    %get3A_10 = arith.constant 0 : index
    %get3A_11 = arith.constant 0 : index
    %get3A_12 = vector.load %arg0[%get3A_9, %get3A_10, %get3A_11] : memref<2x10112x64xf32, #tpu.memory_space<vmem>>, vector<1x10000x64xf32>
    %get3A_13 = vector.shape_cast %get3A_12 : vector<1x10000x64xf32> to vector<10000x64xf32>
    %get3A_14 = arith.constant 1 : index
    %get3A_15 = arith.constant 0 : index
    %get3A_16 = arith.constant 0 : index
    %get3A_17 = vector.load %arg1[%get3A_14, %get3A_15, %get3A_16] : memref<2x10112x64xf32, #tpu.memory_space<vmem>>, vector<1x10000x64xf32>
    %get3A_18 = vector.shape_cast %get3A_17 : vector<1x10000x64xf32> to vector<10000x64xf32>
    %add3A_19 = arith.addf %get3A_13, %get3A_18 : vector<10000x64xf32>
    %concatenate3A = tpu.concatenate %add3A, %add3A_19 in 1 : vector<10000x64xf32>, vector<10000x64xf32> -> vector<10000x128xf32>
    %get3A_20 = arith.constant 0 : index
    %get3A_21 = arith.constant 0 : index
    %get3A_22 = vector.load %arg2[%get3A_20, %get3A_21] : memref<10112x1xf32, #tpu.memory_space<vmem>>, vector<10000x1xf32>
    %mul3A = vector.broadcast %get3A_22 : vector<10000x1xf32> to vector<10000x128xf32>
    %mul3A_23 = arith.mulf %mul3A, %concatenate3A : vector<10000x128xf32>
    %get3A_24 = arith.constant 0 : index
    %get3A_25 = arith.constant 0 : index
    %get3A_26 = vector.load %arg3[%get3A_24, %get3A_25] : memref<1x128xf32, #tpu.memory_space<vmem>>, vector<1x128xf32>
    %add3A_27 = vector.broadcast %get3A_26 : vector<1x128xf32> to vector<10000x128xf32>
    %add3A_28 = arith.addf %mul3A_23, %add3A_27 : vector<10000x128xf32>
    %reduce_sum3A = arith.constant dense<0.000000e+00> : vector<128xf32>
    %reduce_sum3A_29 = vector.multi_reduction <add>, %add3A_28, %reduce_sum3A [0] : vector<10000x128xf32> to vector<128xf32>
    %broadcast_in_dim3A = vector.shape_cast %reduce_sum3A_29 : vector<128xf32> to vector<1x128xf32>
    %div3A = arith.constant 1.000000e+04 : f32
    %div3A_30 = vector.broadcast %div3A : f32 to vector<1x128xf32>
    %div3A_31 = arith.divf %broadcast_in_dim3A, %div3A_30 : vector<1x128xf32>
    %sub3A = vector.broadcast %div3A_31 : vector<1x128xf32> to vector<10000x128xf32>
    %sub3A_32 = arith.subf %add3A_28, %sub3A : vector<10000x128xf32>
    %mul3A_33 = arith.mulf %sub3A_32, %sub3A_32 : vector<10000x128xf32>
    %reduce_sum3A_34 = arith.constant dense<0.000000e+00> : vector<128xf32>
    %reduce_sum3A_35 = vector.multi_reduction <add>, %mul3A_33, %reduce_sum3A_34 [0] : vector<10000x128xf32> to vector<128xf32>
    %broadcast_in_dim3A_36 = vector.shape_cast %reduce_sum3A_35 : vector<128xf32> to vector<1x128xf32>
    %div3A_37 = arith.constant 1.000000e+04 : f32
    %div3A_38 = vector.broadcast %div3A_37 : f32 to vector<1x128xf32>
    %div3A_39 = arith.divf %broadcast_in_dim3A_36, %div3A_38 : vector<1x128xf32>
    %get3A_40 = arith.constant 0 : index
    %get3A_41 = arith.constant 0 : index
    %get3A_42 = vector.load %arg4[%get3A_40, %get3A_41] : memref<1x128xf32, #tpu.memory_space<vmem>>, vector<1x128xf32>
    %mul3A_43 = vector.broadcast %get3A_42 : vector<1x128xf32> to vector<10000x128xf32>
    %mul3A_44 = arith.mulf %mul3A_43, %sub3A_32 : vector<10000x128xf32>
    %add3A_45 = arith.constant 9.99999974E-6 : f32
    %add3A_46 = vector.broadcast %add3A_45 : f32 to vector<1x128xf32>
    %add3A_47 = arith.addf %div3A_39, %add3A_46 : vector<1x128xf32>
    %rsqrt3A = math.rsqrt %add3A_47 : vector<1x128xf32>
    %mul3A_48 = vector.broadcast %rsqrt3A : vector<1x128xf32> to vector<10000x128xf32>
    %mul3A_49 = arith.mulf %mul3A_44, %mul3A_48 : vector<10000x128xf32>
    %get3A_50 = arith.constant 0 : index
    %get3A_51 = arith.constant 0 : index
    %get3A_52 = vector.load %arg5[%get3A_50, %get3A_51] : memref<1x128xf32, #tpu.memory_space<vmem>>, vector<1x128xf32>
    %add3A_53 = vector.broadcast %get3A_52 : vector<1x128xf32> to vector<10000x128xf32>
    %add3A_54 = arith.addf %mul3A_49, %add3A_53 : vector<10000x128xf32>
    %max3A = arith.constant 0.000000e+00 : f32
    %max3A_55 = vector.broadcast %max3A : f32 to vector<10000x128xf32>
    %max3A_56 = arith.maximumf %add3A_54, %max3A_55 : vector<10000x128xf32>
    %swap3A = arith.constant 0 : index
    %swap3A_57 = arith.constant 0 : index
    %swap3A_58 = vector.load %arg6[%swap3A, %swap3A_57] : memref<10000x128xf32, #tpu.memory_space<vmem>>, vector<10000x128xf32>
    tpu.vector_store %arg6[%swap3A, %swap3A_57], %max3A_56 {strides = array<i32>} : memref<10000x128xf32, #tpu.memory_space<vmem>>, vector<10000x128xf32>,
    return
  }
}

</mosaic_0001>

<sc_bundles>
// kernel: kernel.10.cloned.1.call-start
scs
__scs_entry_jumppad:
0x0: {  	(pc) =	sbr.rel $0x88, $3  }
0x1: {  	(tag) =	ssettag $0x0;
	lr =	simm.s32 $0x1  }
0x2: {  	[smem:$0x3F97] =	sst lr;
	_ =	strace $0xD0000000  }
0x3: {  	_ = 	snop  }
0x4: {  	_ = 	snop  }
0x5: {  	_ = 	snop  }
0x6: {  	_ = 	snop  }
0x7: {  	_ = 	snop  }
__scs_overlays_trampoline_lowered:
0x8: {  	[smem:$0x3FA6] =	sst s0  }
0x9: {  	[smem:$0x3FA7] =	sst s1  }
0xa: {  	[smem:$0x3FA8] =	sst s2  }
0xb: {  	[smem:$0x3FA9] =	sst s3  }
0xc: {  	[smem:$0x3FAA] =	sst s4  }
0xd: {  	[smem:$0x3FAB] =	sst s5  }
0xe: {  	[smem:$0x3FAC] =	sst s6  }
0xf: {  	[smem:$0x3FAD] =	sst s7  }
0x10: {  	[smem:$0x3FAE] =	sst s8  }
0x11: {  	[smem:$0x3FAF] =	sst s9;
	s0 =	simm.s32 @!p0 $0x0  }
0x12: {  	s1 =	sld [smem:$0x3F95];
	s0 =	simm.s32 @p0 $0x1  }
0x13: {  	[smem:$0x3FB0] =	sst s0;
	s0 =	simm.s32 @!p1 $0x0  }
0x14: {  	s2 =	sld [smem:$0x3F94];
	s0 =	simm.s32 @p1 $0x1  }
0x15: {  	[smem:$0x3FB1] =	sst s0;
	s0 =	simm.s32 @!p2 $0x0  }
0x16: {  	s3 =	sld [smem:$0x3FDB];
	s0 =	simm.s32 @p2 $0x1  }
0x17: {  	s4 =	simm.s32 $0x1BF5;
	[smem:$0x3FB3] =	sst s0  }
0x18: {  	s0 =	sld [smem:$0x3F96];
	_ =	swait.ge [sflag:s4], $0x0  }
0x19: {  	s7 =	sld [smem:$0x3F97]  }
0x1a: {  	s8 =	sadd.s32 $0xFFFFE003, lr  }
0x1b: {  	s9 =	sadd.s32 $0xFFFFFEF7, lr;
	s5 =	simm.s32 $0xFFFFFFFF;
	p2 =	slt.u32 s8, $0xFFFFF086  }
0x1c: {  	p1 =	slt.u32 s9, $0xF7A;
	s5 =	simm.s32 @!p2 $0x0  }
0x1d: {  	s5 =	simm.s32 @p1 $0x1;
	p0 =	seq.s32 s7, s2  }
0x1e: {  	s7 =	smul.u32 @!p0 $0xF7A, s2;
	p2 =	seq.s32 @!p0 s5, $0x0  }
0x1f: {  	s9 =	smul.u32 $0xF7A, s1;
	s8 =	simm.s32 @!p0 $0x1BF5;
	p2 =	por !p2, p0  }
0x20: {  	[sflag:s8] =	ssyncset.s32 @!p0 $0xFFFFF086;
	s6 =	sadd.s32 @!p0 s3, s7;
	s7 =	simm.s32 @!p0 $0x108  }
0x21: {  	s3 =	sadd.s32 s3, s9;
	s6 =	sadd.s32 @!p0 $0x88, s6;
	s7 =	simm.s32 @p2 $0x1082  }
0x22: {  	[simem:s7], [sflag:s8] =	dma.local @!p0 [hbm:s6], $0xF7A  }
0x23: {  	s9 =	sor.u32 $0xD0000000, s2;
	s6 =	simm.s32 $0x108;
	_ =	swait.ge @!p0 [sflag:s8], $0x0  }
0x24: {  	s3 =	sadd.s32 $0x88, s3;
	s6 =	simm.s32 @!p1 $0x1082;
	[sflag:s4] =	ssyncset.s32 $0xFFFFF086  }
0x25: {  	[simem:s6], [sflag:s4] =	dma.local [hbm:s3], $0xF7A  }
0x26: {  	[smem:$0x3F97] =	sst s1;
	(tag) =	ssettag s2;
	_ =	strace s9  }
0x27: {  	s1 =	sld [smem:$0x3FA7]  }
0x28: {  	s2 =	sld [smem:$0x3FA8]  }
0x29: {  	s4 =	sld [smem:$0x3FAA]  }
0x2a: {  	p0 =	seq.s32 s5, $0x0;
	s5 =	sld [smem:$0x3FAB]  }
0x2b: {  	s6 =	sld [smem:$0x3FAC]  }
0x2c: {  	s7 =	sld [smem:$0x3FAD]  }
0x2d: {  	s3 =	simm.s32 $0x108;
	s8 =	sld [smem:$0x3FAE]  }
0x2e: {  	s3 =	simm.s32 @!p0 $0x1082;
	s9 =	sld [smem:$0x3FAF]  }
0x2f: {  	lr =	sadd.s32 s0, s3;
	s0 =	sld [smem:$0x3FA6]  }
0x30: {  	s3 =	sld [smem:$0x3FA9]  }
0x31: {  	[smem:$0x3FB2] =	sst s10  }
0x32: {  	s10 =	sld [smem:$0x3FB0];
	_ =	sdelay $0x3  }
0x33: {  	p0 =	seq.s32 s10, $0x1;
	s10 =	sld [smem:$0x3FB2];
	_ =	sdelay $0x3  }
0x34: {  	[smem:$0x3FB2] =	sst s10  }
0x35: {  	s10 =	sld [smem:$0x3FB1];
	_ =	sdelay $0x3  }
0x36: {  	p1 =	seq.s32 s10, $0x1;
	s10 =	sld [smem:$0x3FB2];
	_ =	sdelay $0x3  }
0x37: {  	[smem:$0x3FB2] =	sst s10  }
0x38: {  	s10 =	sld [smem:$0x3FB3]  }
0x39: {  	_ = 	snop;
	(pc) =	sbr.ind lr, $3  }
0x3a: {  	_ = 	snop  }
0x3b: {  	_ = 	snop  }
0x3c: {  	p2 =	seq.s32 s10, $0x1;
	s10 =	sld [smem:$0x3FB2]  }
0x3d: {  	_ =	shalt  }
0x3e: {  	_ =	shalt  }
0x3f: {  	_ =	shalt  }
0x40: {  	_ =	shalt  }
0x41: {  	_ =	shalt  }
0x42: {  	_ =	shalt  }
0x43: {  	_ =	shalt  }
0x44: {  	_ =	shalt  }
0x45: {  	_ =	shalt  }
0x46: {  	_ =	shalt  }
0x47: {  	_ =	shalt  }
0x48: {  	_ =	shalt  }
0x49: {  	_ =	shalt  }
0x4a: {  	_ =	shalt  }
0x4b: {  	_ =	shalt  }
0x4c: {  	_ =	shalt  }
0x4d: {  	_ =	shalt  }
0x4e: {  	_ =	shalt  }
0x4f: {  	_ =	shalt  }
0x50: {  	_ =	shalt  }
0x51: {  	_ =	shalt  }
0x52: {  	_ =	shalt  }
0x53: {  	_ =	shalt  }
0x54: {  	_ =	shalt  }
0x55: {  	_ =	shalt  }
0x56: {  	_ =	shalt  }
0x57: {  	_ =	shalt  }
0x58: {  	_ =	shalt  }
0x59: {  	_ =	shalt  }
0x5a: {  	_ =	shalt  }
0x5b: {  	_ =	shalt  }
0x5c: {  	_ =	shalt  }
0x5d: {  	_ =	shalt  }
0x5e: {  	_ =	shalt  }
0x5f: {  	_ =	shalt  }
0x60: {  	_ =	shalt  }
0x61: {  	_ =	shalt  }
0x62: {  	_ =	shalt  }
0x63: {  	_ =	shalt  }
0x64: {  	_ =	shalt  }
0x65: {  	_ =	shalt  }
0x66: {  	_ =	shalt  }
0x67: {  	_ =	shalt  }
0x68: {  	_ =	shalt  }
0x69: {  	_ =	shalt  }
0x6a: {  	_ =	shalt  }
0x6b: {  	_ =	shalt  }
0x6c: {  	_ =	shalt  }
0x6d: {  	_ =	shalt  }
0x6e: {  	_ =	shalt  }
0x6f: {  	_ =	shalt  }
0x70: {  	_ =	shalt  }
0x71: {  	_ =	shalt  }
0x72: {  	_ =	shalt  }
0x73: {  	_ =	shalt  }
0x74: {  	_ =	shalt  }
0x75: {  	_ =	shalt  }
0x76: {  	_ =	shalt  }
0x77: {  	_ =	shalt  }
0x78: {  	_ =	shalt  }
0x79: {  	_ =	shalt  }
0x7a: {  	_ =	shalt  }
0x7b: {  	_ =	shalt  }
0x7c: {  	_ =	shalt  }
0x7d: {  	_ =	shalt  }
0x7e: {  	_ =	shalt  }
0x7f: {  	_ =	shalt  }
0x80: {  	_ =	shalt  }
0x81: {  	_ =	shalt  }
0x82: {  	_ =	shalt  }
0x83: {  	_ =	shalt  }
0x84: {  	_ =	shalt  }
0x85: {  	_ =	shalt  }
0x86: {  	_ =	shalt  }
0x87: {  	_ =	shalt  }
.Lfunc_end0:
.L_simem_size_0:
called_computation.1_lowered:
.L_overlay_start_0:
0x88: {  	s2 =	sld [smem:$0x3FD9]  }
0x89: {  	s3 =	sld [smem:$0x3FFE];
	_ =	sdelay $0x1  }
0x8a: {  	s1 =	srdreg.scid  }
0x8b: {  	s0 =	sand.u32 $0x1, s1  }
0x8c: {  	s17 =	sshll.u32 s0, $0xA;
	s2 =	sadd.s32 s3, s2  }
0x8d: {  	s2 =	sadd.s32 s2, s17  }
0x8e: {  	[smem:$0x3FBE] =	sst s2  }
0x8f: {  	_ = 	snop  }
0x90: {  	s2 =	sld [smem:$0x3FD0];
	(tm) =	ssettm $0x1  }
0x91: {  	s18 =	sld [smem:$0x3FFB];
	_ =	sdelay $0x3  }
0x92: {  	_ =	strace s18  }
0x93: {  	s3 =	sld [smem:$0x3FFC];
	_ =	sdelay $0x3  }
0x94: {  	_ =	strace s3  }
0x95: {  	s3 =	sld [smem:$0x3FFD];
	_ =	sdelay $0x3  }
0x96: {  	_ =	strace s3  }
0x97: {  	_ =	strace $0x8FFFFFFF  }
0x98: {  	s19 =	sld [smem:$0x3FDB];
	_ =	sdelay $0x1  }
0x99: {  	s4 =	simm.s32 $_scs_section_size  }
0x9a: {  	s5 =	simm.s32 $_size__tile_overlayer_lowered;
	s6 =	simm.s32 $_tile_overlayer_lowered  }
0x9b: {  	s22 =	simm.s32 $0x1BFF;
	s21 =	sshll.u32 s6, $0x1;
	s3 =	sadd.s32 s4, s19  }
0x9c: {  	s7 =	simm.s32 $0x0;
	s20 =	sshll.u32 s5, $0x1;
	s5 =	sadd.s32 s21, s3  }
0x9d: {  	[timem:s7], [sflag:s22] =	dma.local [hbm:s5], s20  }
0x9e: {  	_ =	swait.ge [sflag:s22], s20  }
0x9f: {  	s4 =	ssub.s32 $0x0, s20;
	[sflag:s22] =	ssyncset.done $0x0  }
0xa0: {  	[sflag:s22] =	ssyncadd.s32 s4;
	_ =	sdelay $0x1  }
0xa1: {  	s23 =	simm.s32 $0x1B8B  }
0xa2: {  	_ =	swait.ge [sflag:s23], $0x1  }
0xa3: {  	[sflag:s23] =	ssyncset.done $0x0  }
0xa4: {  	s25 =	simm.s32 $0x1B8E;
	s24 =	sld [smem:$0x3FFE];
	[sflag:s23] =	ssyncadd.s32 $0xFFFFFFFF  }
0xa5: {  	s26 =	simm.s32 $execute0_lowered;
	[smem:$0x3FD2] =	sst s25  }
0xa6: {  	s5 =	sshll.u32 s26, $0x1;
	_ =	strace $0x80000049;
	[dreg:$0x1] =	wrdreg $0xFFFFFFFF  }
0xa7: {  	s28 =	simm.s32 $_size_execute0_lowered;
	s3 =	sadd.s32 s3, s5;
	[dreg:$0x0] =	wrdreg $0x0  }
0xa8: {  	s5 =	sshll.u32 s28, $0x1;
	[dreg:$0x2] =	wrdreg s3  }
0xa9: {  	[dreg:$0x3] =	wrdreg s5  }
0xaa: {  	[dreg:$0x4] =	wrdreg $0xC0  }
0xab: {  	_ =	task [dreg:s7], $0x5FFFF  }
0xac: {  	[dreg:$0x1] =	wrdreg $0xFFFFFFFF  }
0xad: {  	[dreg:$0x0] =	wrdreg $0x60  }
0xae: {  	[dreg:$0x2] =	wrdreg s24  }
0xaf: {  	[dreg:$0x3] =	wrdreg s2  }
0xb0: {  	[dreg:$0x4] =	wrdreg $0xDE000  }
0xb1: {  	[dreg:$0x5] =	wrdreg $0x9  }
0xb2: {  	_ =	task.clear_ibuf [dreg:s7], $0x6FFFF;
	_ =	strace $0x90000049  }
0xb3: {  	s29 =	simm.s32 $0x9;
	_ =	strace $0x8000004B  }
0xb4: {  	_ =	swait.ge [sflag:s29], $0x1  }
0xb5: {  	[sflag:s29] =	ssyncadd.s32 $0xFFFFFFFF  }
0xb6: {  	_ =	strace $0x9000004B  }
0xb7: {  	_ =	sfence  }
0xb8: {  	s30 =	sld [smem:$0x0];
	_ =	sdelay $0x2  }
0xb9: {  	s31 =	sshll.u32 s1, $0xD;
	s1 =	sshrl.u32 s1, $0x2  }
0xba: {  	s3 =	sand.u32 $0x4000, s31;
	s1 =	sadd.s32 s1, s30  }
0xbb: {  	s0 =	sor.u32 s3, s0;
	s1 =	sshll.u32 s1, $0x11  }
0xbc: {  	s0 =	sor.u32 s1, s0  }
0xbd: {  	s0 =	sadd.s32 $0x8F2B, s0  }
0xbe: {  	[sflag:s0] =	ssyncadd.remote.s32 $0x1  }
0xbf: {  	_ =	sfence.sel $0xFFFF  }
0xc0: {  	[dreg:$0x0] =	wrdreg $0xFFFFFFFF;
	(pc) =	sbr.abs _section_cstart, $3  }
0xc1: {  	[dreg:$0x1] =	wrdreg $0xFFFFFFFF  }
0xc2: {  	_ =	task.clear_ibuf [dreg:s7], $0x2FFFF;
	_ =	strace $0x9FFFFFFF  }
0xc3: {  	(tm) =	ssettm $0x7FFFFFFF  }
tec
execute0_lowered:
.L_overlay_start_1:
0x0: {  	(tag) =	ssettag $0x1  }
0x1: {  	s0 =	rddreg [dreg:$0x0]  }
0x2: {  	s2 =	rddreg [dreg:$0x2];
	s1 =	stileid.u32  }
0x3: {  	s3 =	srdreg.scid;
	s7 =	smul.u32 $0x9E0, s1  }
0x4: {  	s4 =	simm.s32 $0x0;
	s28 =	simm.s32 $0xBE00;
	s8 =	smul.u32 $0x27800, s1  }
0x5: {  	s29 =	simm.s32 $0x1;
	s5 =	sand.u32 $0x1, s3;
	s18 =	smul.u32 $0x9E00, s1  }
0x6: {  	s30 =	simm.s32 $0x0;
	[smem:$0x7FF] =	sst s4;
	s6 =	smul.u32 $0x13C00, s5  }
0x7: {  	_ =	strace $0x8000004A;
	s24 =	ssub.s32 $0x2, s5;
	s19 =	smul.u32 $0x9E000, s5  }
0x8: {  	s7 =	sadd.s32 s7, s0;
	s10 =	sshrl.u32 s24, $0x1;
	s25 =	sadd.s32 $0x8000, s18  }
0x9: {  	s8 =	sshrl.u32 s8, $0x2;
	s20 =	sadd.s32 $0x2000, s18;
	s21 =	sadd.s32 $0x4000, s18  }
0xa: {  	s23 =	sadd.s32 $0x6000, s18;
	s9 =	sadd.s32 s6, s0;
	s0 =	sadd.s32 $0x8CE00, s0  }
0xb: {  	s12 =	ssub.s32 s24, s10;
	s5 =	sadd.s32 $0xC800, s7;
	s11 =	sadd.s32 s19, s25  }
0xc: {  	s6 =	sadd.s32 $0x1E00, s7;
	s7 =	sadd.s32 s8, s2;
	s8 =	sadd.s32 s25, s2  }
0xd: {  	s15 =	sadd.s32 s19, s18;
	s17 =	sadd.s32 s20, s2;
	s20 =	sadd.s32 s19, s20  }
0xe: {  	s22 =	sadd.s32 s19, s21;
	s31 =	sadd.s32 s19, s23;
	s19 =	sadd.s32 s21, s2  }
0xf: {  	s21 =	sadd.s32 s23, s2;
	s23 =	simm.s32 $0x2;
	s24 =	simm.s32 $0x4F00  }
0x10: {  	s25 =	simm.s32 $0x9E00;
	s11 =	sshrl.u32 s11, $0x3;
	s9 =	sadd.s32 $0x65600, s9  }
0x11: {  	s12 =	smax.u32 s12, $0x1;
	s13 =	sadd.s32 $0x2000, s7;
	s14 =	sadd.s32 $0x4000, s7  }
0x12: {  	s16 =	sshrl.u32 s15, $0x3;
	s15 =	sadd.s32 $0x6000, s7;
	s20 =	sshrl.u32 s20, $0x3  }
0x13: {  	s26 =	sshrl.u32 s22, $0x3;
	s22 =	sshrl.u32 s31, $0x3;
	s10 =	sadd.s32 s0, s11  }
0x14: {  	s11 =	sadd.s32 s18, s2;
	s16 =	sadd.s32 s0, s16;
	s18 =	sadd.s32 s0, s20  }
0x15: {  	s20 =	sadd.s32 s0, s26;
	s22 =	sadd.s32 s0, s22;
	s26 =	simm.s32 $0x80  }
.LBB2_1:
0x16: {  	[tilespmem:s4], [sflag:$0x2] =	stream.linear.gather [hbm4b:s5+s4], $0x4F00, $0x38;
	[tilespmem:$0x17C00] =	vst v63  }
0x17: {  	_ =	swait.ge [sflag:s23], $0x4F00  }
0x18: {  	[sflag:s23] =	ssyncset.done $0x0  }
0x19: {  	[sflag:s23] =	ssyncadd.s32 $0xFFFFB100  }
0x1a: {  	[tilespmem:s24], [sflag:$0x2] =	stream.linear.gather [hbm4b:s6+s4], $0x4F00, $0x38;
	[tilespmem:$0x17C00] =	vst v63  }
0x1b: {  	_ =	swait.ge [sflag:s23], $0x4F00  }
0x1c: {  	[sflag:s23] =	ssyncset.done $0x0  }
0x1d: {  	[sflag:s23] =	ssyncadd.s32 $0xFFFFB100  }
0x1e: {  	s0 =	rddreg [dreg:$0x1]  }
0x1f: {  	[tilespmem:s25], [sflag:$0x2] =	stream.linear.gather [hbm4b:s0+s4], $0x2000, $0x38;
	[tilespmem:$0x17C00] =	vst v63  }
0x20: {  	_ =	swait.ge [sflag:s23], $0x2000  }
0x21: {  	[sflag:s23] =	ssyncset.done $0x0  }
0x22: {  	[sflag:s23] =	ssyncadd.s32 $0xFFFFE000  }
0x23: {  	[spmem:s7] =	stream.linear.scatter [tilespmem:s25], [sflag:$0x2], $0x2000, $0x38;
	[tilespmem:$0x17C00] =	vst v63  }
0x24: {  	_ =	swait.ge [sflag:s23], $0x2000  }
0x25: {  	[sflag:s23] =	ssyncset.done $0x0  }
0x26: {  	[sflag:s23] =	ssyncadd.s32 $0xFFFFE000  }
0x27: {  	[spmem:s13] =	stream.linear.scatter [tilespmem:s25], [sflag:$0x2], $0x2000, $0x38;
	[tilespmem:$0x17C00] =	vst v63  }
0x28: {  	_ =	swait.ge [sflag:s23], $0x2000  }
0x29: {  	[sflag:s23] =	ssyncset.done $0x0  }
0x2a: {  	[sflag:s23] =	ssyncadd.s32 $0xFFFFE000  }
0x2b: {  	[spmem:s14] =	stream.linear.scatter [tilespmem:s25], [sflag:$0x2], $0x2000, $0x38;
	[tilespmem:$0x17C00] =	vst v63  }
0x2c: {  	_ =	swait.ge [sflag:s23], $0x2000  }
0x2d: {  	[sflag:s23] =	ssyncset.done $0x0  }
0x2e: {  	[sflag:s23] =	ssyncadd.s32 $0xFFFFE000  }
0x2f: {  	[spmem:s15] =	stream.linear.scatter [tilespmem:s25], [sflag:$0x2], $0x2000, $0x38;
	[tilespmem:$0x17C00] =	vst v63  }
0x30: {  	_ =	swait.ge [sflag:s23], $0x2000  }
0x31: {  	[sflag:s23] =	ssyncset.done $0x0  }
0x32: {  	[sflag:s23] =	ssyncadd.s32 $0xFFFFE000  }
0x33: {  	[spmem:s8] =	stream.linear.scatter [tilespmem:s25], [sflag:$0x2], $0x1E00, $0x38;
	[tilespmem:$0x17C00] =	vst v63  }
0x34: {  	_ =	swait.ge [sflag:s23], $0x1E00  }
0x35: {  	[sflag:s23] =	ssyncset.done $0x0  }
0x36: {  	[sflag:s23] =	ssyncadd.s32 $0xFFFFE200  }
0x37: {  	s1 =	simm.s32 $0x0;
	[bflag:$0x0] =	sbarrier.arrive $0xFFFF  }
0x38: {  	[tilespmem:s25], [sflag:$0x1] =	stream.indirect.gather [hbm4b:s9+s26], $0x40, s1, s26, $0xb8;
	[tilespmem:$0x17C00] =	vst v63  }
0x39: {  	s3 =	simm.s32 $0x80  }
0x3a: {  	[tilespmem:s28], [sflag:$0x1] =	stream.indirect.gather [hbm4b:s9+s26], $0x40, s3, s26, $0xb8;
	[tilespmem:$0x17C00] =	vst v63  }
0x3b: {  	_ =	swait.ge [sflag:s29], $0x2000  }
0x3c: {  	[sflag:s29] =	ssyncset.done $0x0  }
0x3d: {  	s1 =	simm.s32 $0x4F00;
	[sflag:s29] =	ssyncadd.s32 $0xFFFFE000  }
0x3e: {  	[spmem:s2] =	stream.indirect.scatter.add.f32 [tilespmem:s25], [sflag:$0x2], $0x40, s1, s26, $0xb8;
	[tilespmem:$0x17C00] =	vst v63  }
0x3f: {  	_ =	swait.ge [sflag:s23], $0x2000  }
0x40: {  	[sflag:s23] =	ssyncset.done $0x0  }
0x41: {  	[sflag:s23] =	ssyncadd.s32 $0xFFFFE000  }
0x42: {  	_ =	swait.ge [sflag:s29], $0x2000  }
0x43: {  	[sflag:s29] =	ssyncset.done $0x0  }
0x44: {  	s3 =	simm.s32 $0x4F80;
	[sflag:s29] =	ssyncadd.s32 $0xFFFFE000  }
0x45: {  	[spmem:s2] =	stream.indirect.scatter.add.f32 [tilespmem:s28], [sflag:$0x2], $0x40, s3, s26, $0xb8;
	[tilespmem:$0x17C00] =	vst v63  }
0x46: {  	_ =	swait.ge [sflag:s23], $0x2000  }
0x47: {  	s31 =	simm.s32 $0x400;
	s0 =	simm.s32 $0x800;
	[sflag:s23] =	ssyncset.done $0x0  }
.LBB2_2:
0x48: {  	s3 =	sshra.s32 s31, $0x2  }
0x49: {  	[sflag:s23] =	ssyncadd.s32 $0xFFFFE000;
	s31 =	smov.u32 s0;
	s1 =	sadd.s32 $0x400, s0  }
0x4a: {  	[tilespmem:s25], [sflag:$0x1] =	stream.indirect.gather [hbm4b:s9+s26], $0x40, s3, s26, $0xb8;
	[tilespmem:$0x17C00] =	vst v63  }
0x4b: {  	p0 =	sne.s32 s0, $0x13800;
	s0 =	sadd.s32 $0x80, s3  }
0x4c: {  	[tilespmem:s28], [sflag:$0x1] =	stream.indirect.gather [hbm4b:s9+s26], $0x40, s0, s26, $0xb8;
	[tilespmem:$0x17C00] =	vst v63  }
0x4d: {  	_ =	swait.ge [sflag:s29], $0x2000  }
0x4e: {  	[sflag:s29] =	ssyncset.done $0x0  }
0x4f: {  	s0 =	sadd.s32 $0x4F00, s3;
	[sflag:s29] =	ssyncadd.s32 $0xFFFFE000  }
0x50: {  	[spmem:s2] =	stream.indirect.scatter.add.f32 [tilespmem:s25], [sflag:$0x2], $0x40, s0, s26, $0xb8;
	[tilespmem:$0x17C00] =	vst v63  }
0x51: {  	_ =	swait.ge [sflag:s23], $0x2000  }
0x52: {  	[sflag:s23] =	ssyncset.done $0x0  }
0x53: {  	[sflag:s23] =	ssyncadd.s32 $0xFFFFE000  }
0x54: {  	_ =	swait.ge [sflag:s29], $0x2000  }
.Ltmp0:
0x55: {  	[sflag:s29] =	ssyncset.done $0x0;
	(pc) =	sbr.rel @p0 .LBB2_2-.Ltmp0, $4  }
0x56: {  	s0 =	sadd.s32 $0x4F80, s3;
	[sflag:s29] =	ssyncadd.s32 $0xFFFFE000  }
0x57: {  	[spmem:s2] =	stream.indirect.scatter.add.f32 [tilespmem:s28], [sflag:$0x2], $0x40, s0, s26, $0xb8;
	[tilespmem:$0x17C00] =	vst v63  }
0x58: {  	_ =	swait.ge [sflag:s23], $0x2000  }
0x59: {  	s0 =	smov.u32 s1;
	[sflag:s23] =	ssyncset.done $0x0  }
0x5a: {  	s0 =	sshra.s32 s31, $0x2;
	[sflag:s23] =	ssyncadd.s32 $0xFFFFE000  }
0x5b: {  	[tilespmem:s25], [sflag:$0x1] =	stream.indirect.gather [hbm4b:s9+s26], $0x40, s0, s26, $0xb8;
	[tilespmem:$0x17C00] =	vst v63  }
0x5c: {  	s1 =	sadd.s32 $0x80, s0  }
0x5d: {  	[tilespmem:s28], [sflag:$0x1] =	stream.indirect.gather [hbm4b:s9+s26], $0x40, s1, s26, $0xb8;
	[tilespmem:$0x17C00] =	vst v63  }
0x5e: {  	_ =	swait.ge [sflag:s29], $0x2000  }
0x5f: {  	[sflag:s29] =	ssyncset.done $0x0  }
0x60: {  	s31 =	sadd.s32 $0x4F00, s0;
	[sflag:s29] =	ssyncadd.s32 $0xFFFFE000  }
0x61: {  	[spmem:s2] =	stream.indirect.scatter.add.f32 [tilespmem:s25], [sflag:$0x2], $0x40, s31, s26, $0xb8;
	[tilespmem:$0x17C00] =	vst v63  }
0x62: {  	_ =	swait.ge [sflag:s23], $0x2000  }
0x63: {  	[sflag:s23] =	ssyncset.done $0x0  }
0x64: {  	[sflag:s23] =	ssyncadd.s32 $0xFFFFE000  }
0x65: {  	_ =	swait.ge [sflag:s29], $0x2000  }
0x66: {  	[sflag:s29] =	ssyncset.done $0x0  }
0x67: {  	s0 =	sadd.s32 $0x4F80, s0;
	[sflag:s29] =	ssyncadd.s32 $0xFFFFE000  }
0x68: {  	[spmem:s2] =	stream.indirect.scatter.add.f32 [tilespmem:s28], [sflag:$0x2], $0x40, s0, s26, $0xb8;
	[tilespmem:$0x17C00] =	vst v63  }
0x69: {  	_ =	swait.ge [sflag:s23], $0x2000  }
0x6a: {  	[sflag:s23] =	ssyncset.done $0x0  }
0x6b: {  	[sflag:s23] =	ssyncadd.s32 $0xFFFFE000  }
0x6c: {  	[bflag:$0x0] =	sbarrier.arrive $0xFFFF  }
0x6d: {  	[tilespmem:s25], [sflag:$0x2] =	stream.linear.gather [spmem:s11], $0x2000, $0x38;
	[tilespmem:$0x17C00] =	vst v63  }
0x6e: {  	_ =	swait.ge [sflag:s23], $0x2000  }
0x6f: {  	[sflag:s23] =	ssyncset.done $0x0  }
0x70: {  	[sflag:s23] =	ssyncadd.s32 $0xFFFFE000  }
0x71: {  	[hbm4b:s16+s4] =	stream.linear.scatter [tilespmem:s25], [sflag:$0x2], $0x2000, $0x38;
	[tilespmem:$0x17C00] =	vst v63  }
0x72: {  	_ =	swait.ge [sflag:s23], $0x2000  }
0x73: {  	[sflag:s23] =	ssyncset.done $0x0  }
0x74: {  	[sflag:s23] =	ssyncadd.s32 $0xFFFFE000  }
0x75: {  	[tilespmem:s25], [sflag:$0x2] =	stream.linear.gather [spmem:s17], $0x2000, $0x38;
	[tilespmem:$0x17C00] =	vst v63  }
0x76: {  	_ =	swait.ge [sflag:s23], $0x2000  }
0x77: {  	[sflag:s23] =	ssyncset.done $0x0  }
0x78: {  	[sflag:s23] =	ssyncadd.s32 $0xFFFFE000  }
0x79: {  	[hbm4b:s18+s4] =	stream.linear.scatter [tilespmem:s25], [sflag:$0x2], $0x2000, $0x38;
	[tilespmem:$0x17C00] =	vst v63  }
0x7a: {  	_ =	swait.ge [sflag:s23], $0x2000  }
0x7b: {  	[sflag:s23] =	ssyncset.done $0x0  }
0x7c: {  	[sflag:s23] =	ssyncadd.s32 $0xFFFFE000  }
0x7d: {  	[tilespmem:s25], [sflag:$0x2] =	stream.linear.gather [spmem:s19], $0x2000, $0x38;
	[tilespmem:$0x17C00] =	vst v63  }
0x7e: {  	_ =	swait.ge [sflag:s23], $0x2000  }
0x7f: {  	[sflag:s23] =	ssyncset.done $0x0  }
0x80: {  	[sflag:s23] =	ssyncadd.s32 $0xFFFFE000  }
0x81: {  	[hbm4b:s20+s4] =	stream.linear.scatter [tilespmem:s25], [sflag:$0x2], $0x2000, $0x38;
	[tilespmem:$0x17C00] =	vst v63  }
0x82: {  	_ =	swait.ge [sflag:s23], $0x2000  }
0x83: {  	[sflag:s23] =	ssyncset.done $0x0  }
0x84: {  	[sflag:s23] =	ssyncadd.s32 $0xFFFFE000  }
0x85: {  	[tilespmem:s25], [sflag:$0x2] =	stream.linear.gather [spmem:s21], $0x2000, $0x38;
	[tilespmem:$0x17C00] =	vst v63  }
0x86: {  	_ =	swait.ge [sflag:s23], $0x2000  }
0x87: {  	[sflag:s23] =	ssyncset.done $0x0  }
0x88: {  	[sflag:s23] =	ssyncadd.s32 $0xFFFFE000  }
0x89: {  	[hbm4b:s22+s4] =	stream.linear.scatter [tilespmem:s25], [sflag:$0x2], $0x2000, $0x38;
	[tilespmem:$0x17C00] =	vst v63  }
0x8a: {  	_ =	swait.ge [sflag:s23], $0x2000  }
0x8b: {  	[sflag:s23] =	ssyncset.done $0x0  }
0x8c: {  	[sflag:s23] =	ssyncadd.s32 $0xFFFFE000  }
0x8d: {  	[tilespmem:s25], [sflag:$0x2] =	stream.linear.gather [spmem:s8], $0x1E00, $0x38;
	[tilespmem:$0x17C00] =	vst v63  }
0x8e: {  	s30 =	sadd.s32 $0x1, s30;
	_ =	swait.ge [sflag:s23], $0x1E00  }
0x8f: {  	p0 =	sne.s32 s30, s12;
	[sflag:s23] =	ssyncset.done $0x0  }
.Ltmp1:
0x90: {  	[sflag:s23] =	ssyncadd.s32 $0xFFFFE200;
	(pc) =	sbr.rel @p0 .LBB2_1-.Ltmp1, $4  }
0x91: {  	[hbm4b:s10+s4] =	stream.linear.scatter [tilespmem:s25], [sflag:$0x2], $0x1E00, $0x38;
	[tilespmem:$0x17C00] =	vst v63  }
0x92: {  	_ =	swait.ge [sflag:s23], $0x1E00  }
0x93: {  	[sflag:s23] =	ssyncset.done $0x0  }
0x94: {  	[sflag:s23] =	ssyncadd.s32 $0xFFFFE200  }
0x95: {  	_ =	sfence.sel $0x180000  }
0x96: {  	[bflag:$0x0] =	sbarrier.arrive $0xFFFF  }
0x97: {  	_ =	strace $0x9000004A  }
0x98: {  	s0 =	stileid.u32;
	[bflag:$0x2] =	sbarrier.arrive $0xFFFF  }
0x99: {  	p0 =	sne.s32 s0, $0x0;
	s0 =	rddreg [dreg:$0x3]  }
0x9a: {  	s0 =	sadd.s32 @!p0 $0x100000, s0  }
0x9b: {  	[sflag:s0] =	ssyncadd.tile.s32 @!p0 $0x1;
	_ =	shalt  }
.Lfunc_end2:
_tile_overlayer_lowered:
.L_overlay_start_2:
0x9c: {  	(tag) =	ssettag $0x2  }
0x9d: {  	s0 =	rddreg [dreg:$0x0];
	s2 =	stileid.u32  }
0x9e: {  	s1 =	rddreg [dreg:$0x1];
	p0 =	sne.s32 s2, $0x0  }
0x9f: {  	s3 =	rddreg [dreg:$0x2];
	[bflag:$0x3] =	sbarrier.arrive $0xFFFF;
	s2 =	simm.s32 @!p0 $0x1C02  }
0xa0: {  	[timem:s3], [sflag:s2] =	dma.local @!p0 [hbm:s0], s1  }
0xa1: {  	s0 =	simm.s32 @!p0 $0x2  }
0xa2: {  	_ =	swait.ge @!p0 [sflag:s0], s1  }
0xa3: {  	s1 =	ssub.s32 @!p0 $0x0, s1;
	[sflag:s0] =	ssyncset.done @!p0 $0x0  }
0xa4: {  	[sflag:s0] =	ssyncadd.s32 @!p0 s1  }
0xa5: {  	[bflag:$0x3] =	sbarrier.arrive $0xFFFF  }
0xa6: {  	_ =	shalt  }

// kernel: kernel.7.cloned.1.call-start
scs
__scs_entry_jumppad:
0x0: {  	(pc) =	sbr.rel $0x88, $3  }
0x1: {  	(tag) =	ssettag $0x0;
	lr =	simm.s32 $0x1  }
0x2: {  	[smem:$0x3F97] =	sst lr;
	_ =	strace $0xD0000000  }
0x3: {  	_ = 	snop  }
0x4: {  	_ = 	snop  }
0x5: {  	_ = 	snop  }
0x6: {  	_ = 	snop  }
0x7: {  	_ = 	snop  }
__scs_overlays_trampoline_lowered:
0x8: {  	[smem:$0x3FA6] =	sst s0  }
0x9: {  	[smem:$0x3FA7] =	sst s1  }
0xa: {  	[smem:$0x3FA8] =	sst s2  }
0xb: {  	[smem:$0x3FA9] =	sst s3  }
0xc: {  	[smem:$0x3FAA] =	sst s4  }
0xd: {  	[smem:$0x3FAB] =	sst s5  }
0xe: {  	[smem:$0x3FAC] =	sst s6  }
0xf: {  	[smem:$0x3FAD] =	sst s7  }
0x10: {  	[smem:$0x3FAE] =	sst s8  }
0x11: {  	[smem:$0x3FAF] =	sst s9;
	s0 =	simm.s32 @!p0 $0x0  }
0x12: {  	s1 =	sld [smem:$0x3F95];
	s0 =	simm.s32 @p0 $0x1  }
0x13: {  	[smem:$0x3FB0] =	sst s0;
	s0 =	simm.s32 @!p1 $0x0  }
0x14: {  	s2 =	sld [smem:$0x3F94];
	s0 =	simm.s32 @p1 $0x1  }
0x15: {  	[smem:$0x3FB1] =	sst s0;
	s0 =	simm.s32 @!p2 $0x0  }
0x16: {  	s3 =	sld [smem:$0x3FDB];
	s0 =	simm.s32 @p2 $0x1  }
0x17: {  	s4 =	simm.s32 $0x1BF5;
	[smem:$0x3FB3] =	sst s0  }
0x18: {  	s0 =	sld [smem:$0x3F96];
	_ =	swait.ge [sflag:s4], $0x0  }
0x19: {  	s7 =	sld [smem:$0x3F97]  }
0x1a: {  	s8 =	sadd.s32 $0xFFFFE003, lr  }
0x1b: {  	s9 =	sadd.s32 $0xFFFFFEF7, lr;
	s5 =	simm.s32 $0xFFFFFFFF;
	p2 =	slt.u32 s8, $0xFFFFF086  }
0x1c: {  	p1 =	slt.u32 s9, $0xF7A;
	s5 =	simm.s32 @!p2 $0x0  }
0x1d: {  	s5 =	simm.s32 @p1 $0x1;
	p0 =	seq.s32 s7, s2  }
0x1e: {  	s7 =	smul.u32 @!p0 $0xF7A, s2;
	p2 =	seq.s32 @!p0 s5, $0x0  }
0x1f: {  	s9 =	smul.u32 $0xF7A, s1;
	s8 =	simm.s32 @!p0 $0x1BF5;
	p2 =	por !p2, p0  }
0x20: {  	[sflag:s8] =	ssyncset.s32 @!p0 $0xFFFFF086;
	s6 =	sadd.s32 @!p0 s3, s7;
	s7 =	simm.s32 @!p0 $0x108  }
0x21: {  	s3 =	sadd.s32 s3, s9;
	s6 =	sadd.s32 @!p0 $0x88, s6;
	s7 =	simm.s32 @p2 $0x1082  }
0x22: {  	[simem:s7], [sflag:s8] =	dma.local @!p0 [hbm:s6], $0xF7A  }
0x23: {  	s9 =	sor.u32 $0xD0000000, s2;
	s6 =	simm.s32 $0x108;
	_ =	swait.ge @!p0 [sflag:s8], $0x0  }
0x24: {  	s3 =	sadd.s32 $0x88, s3;
	s6 =	simm.s32 @!p1 $0x1082;
	[sflag:s4] =	ssyncset.s32 $0xFFFFF086  }
0x25: {  	[simem:s6], [sflag:s4] =	dma.local [hbm:s3], $0xF7A  }
0x26: {  	[smem:$0x3F97] =	sst s1;
	(tag) =	ssettag s2;
	_ =	strace s9  }
0x27: {  	s1 =	sld [smem:$0x3FA7]  }
0x28: {  	s2 =	sld [smem:$0x3FA8]  }
0x29: {  	s4 =	sld [smem:$0x3FAA]  }
0x2a: {  	p0 =	seq.s32 s5, $0x0;
	s5 =	sld [smem:$0x3FAB]  }
0x2b: {  	s6 =	sld [smem:$0x3FAC]  }
0x2c: {  	s7 =	sld [smem:$0x3FAD]  }
0x2d: {  	s3 =	simm.s32 $0x108;
	s8 =	sld [smem:$0x3FAE]  }
0x2e: {  	s3 =	simm.s32 @!p0 $0x1082;
	s9 =	sld [smem:$0x3FAF]  }
0x2f: {  	lr =	sadd.s32 s0, s3;
	s0 =	sld [smem:$0x3FA6]  }
0x30: {  	s3 =	sld [smem:$0x3FA9]  }
0x31: {  	[smem:$0x3FB2] =	sst s10  }
0x32: {  	s10 =	sld [smem:$0x3FB0];
	_ =	sdelay $0x3  }
0x33: {  	p0 =	seq.s32 s10, $0x1;
	s10 =	sld [smem:$0x3FB2];
	_ =	sdelay $0x3  }
0x34: {  	[smem:$0x3FB2] =	sst s10  }
0x35: {  	s10 =	sld [smem:$0x3FB1];
	_ =	sdelay $0x3  }
0x36: {  	p1 =	seq.s32 s10, $0x1;
	s10 =	sld [smem:$0x3FB2];
	_ =	sdelay $0x3  }
0x37: {  	[smem:$0x3FB2] =	sst s10  }
0x38: {  	s10 =	sld [smem:$0x3FB3]  }
0x39: {  	_ = 	snop;
	(pc) =	sbr.ind lr, $3  }
0x3a: {  	_ = 	snop  }
0x3b: {  	_ = 	snop  }
0x3c: {  	p2 =	seq.s32 s10, $0x1;
	s10 =	sld [smem:$0x3FB2]  }
0x3d: {  	_ =	shalt  }
0x3e: {  	_ =	shalt  }
0x3f: {  	_ =	shalt  }
0x40: {  	_ =	shalt  }
0x41: {  	_ =	shalt  }
0x42: {  	_ =	shalt  }
0x43: {  	_ =	shalt  }
0x44: {  	_ =	shalt  }
0x45: {  	_ =	shalt  }
0x46: {  	_ =	shalt  }
0x47: {  	_ =	shalt  }
0x48: {  	_ =	shalt  }
0x49: {  	_ =	shalt  }
0x4a: {  	_ =	shalt  }
0x4b: {  	_ =	shalt  }
0x4c: {  	_ =	shalt  }
0x4d: {  	_ =	shalt  }
0x4e: {  	_ =	shalt  }
0x4f: {  	_ =	shalt  }
0x50: {  	_ =	shalt  }
0x51: {  	_ =	shalt  }
0x52: {  	_ =	shalt  }
0x53: {  	_ =	shalt  }
0x54: {  	_ =	shalt  }
0x55: {  	_ =	shalt  }
0x56: {  	_ =	shalt  }
0x57: {  	_ =	shalt  }
0x58: {  	_ =	shalt  }
0x59: {  	_ =	shalt  }
0x5a: {  	_ =	shalt  }
0x5b: {  	_ =	shalt  }
0x5c: {  	_ =	shalt  }
0x5d: {  	_ =	shalt  }
0x5e: {  	_ =	shalt  }
0x5f: {  	_ =	shalt  }
0x60: {  	_ =	shalt  }
0x61: {  	_ =	shalt  }
0x62: {  	_ =	shalt  }
0x63: {  	_ =	shalt  }
0x64: {  	_ =	shalt  }
0x65: {  	_ =	shalt  }
0x66: {  	_ =	shalt  }
0x67: {  	_ =	shalt  }
0x68: {  	_ =	shalt  }
0x69: {  	_ =	shalt  }
0x6a: {  	_ =	shalt  }
0x6b: {  	_ =	shalt  }
0x6c: {  	_ =	shalt  }
0x6d: {  	_ =	shalt  }
0x6e: {  	_ =	shalt  }
0x6f: {  	_ =	shalt  }
0x70: {  	_ =	shalt  }
0x71: {  	_ =	shalt  }
0x72: {  	_ =	shalt  }
0x73: {  	_ =	shalt  }
0x74: {  	_ =	shalt  }
0x75: {  	_ =	shalt  }
0x76: {  	_ =	shalt  }
0x77: {  	_ =	shalt  }
0x78: {  	_ =	shalt  }
0x79: {  	_ =	shalt  }
0x7a: {  	_ =	shalt  }
0x7b: {  	_ =	shalt  }
0x7c: {  	_ =	shalt  }
0x7d: {  	_ =	shalt  }
0x7e: {  	_ =	shalt  }
0x7f: {  	_ =	shalt  }
0x80: {  	_ =	shalt  }
0x81: {  	_ =	shalt  }
0x82: {  	_ =	shalt  }
0x83: {  	_ =	shalt  }
0x84: {  	_ =	shalt  }
0x85: {  	_ =	shalt  }
0x86: {  	_ =	shalt  }
0x87: {  	_ =	shalt  }
.Lfunc_end0:
.L_simem_size_0:
called_computation_lowered:
.L_overlay_start_0:
0x88: {  	s2 =	sld [smem:$0x3FD9]  }
0x89: {  	s3 =	sld [smem:$0x3FFE];
	_ =	sdelay $0x1  }
0x8a: {  	s1 =	srdreg.scid  }
0x8b: {  	s0 =	sand.u32 $0x1, s1  }
0x8c: {  	s17 =	sshll.u32 s0, $0xA;
	s2 =	sadd.s32 s3, s2  }
0x8d: {  	s2 =	sadd.s32 s2, s17  }
0x8e: {  	[smem:$0x3FBE] =	sst s2  }
0x8f: {  	_ = 	snop  }
0x90: {  	s2 =	sld [smem:$0x3FD0];
	(tm) =	ssettm $0x1  }
0x91: {  	s18 =	sld [smem:$0x3FFB];
	_ =	sdelay $0x3  }
0x92: {  	_ =	strace s18  }
0x93: {  	s3 =	sld [smem:$0x3FFC];
	_ =	sdelay $0x3  }
0x94: {  	_ =	strace s3  }
0x95: {  	s3 =	sld [smem:$0x3FFD];
	_ =	sdelay $0x3  }
0x96: {  	_ =	strace s3  }
0x97: {  	_ =	strace $0x8FFFFFFF  }
0x98: {  	s19 =	sld [smem:$0x3FDB];
	_ =	sdelay $0x1  }
0x99: {  	s4 =	simm.s32 $_scs_section_size  }
0x9a: {  	s5 =	simm.s32 $_size__tile_overlayer_lowered;
	s6 =	simm.s32 $_tile_overlayer_lowered  }
0x9b: {  	s22 =	simm.s32 $0x1BFF;
	s21 =	sshll.u32 s6, $0x1;
	s3 =	sadd.s32 s4, s19  }
0x9c: {  	s7 =	simm.s32 $0x0;
	s20 =	sshll.u32 s5, $0x1;
	s5 =	sadd.s32 s21, s3  }
0x9d: {  	[timem:s7], [sflag:s22] =	dma.local [hbm:s5], s20  }
0x9e: {  	_ =	swait.ge [sflag:s22], s20  }
0x9f: {  	s4 =	ssub.s32 $0x0, s20;
	[sflag:s22] =	ssyncset.done $0x0  }
0xa0: {  	[sflag:s22] =	ssyncadd.s32 s4;
	_ =	sdelay $0x1  }
0xa1: {  	s23 =	simm.s32 $0x1B8B  }
0xa2: {  	_ =	swait.ge [sflag:s23], $0x1  }
0xa3: {  	[sflag:s23] =	ssyncset.done $0x0  }
0xa4: {  	s25 =	simm.s32 $0x1B8E;
	s24 =	sld [smem:$0x3FFE];
	[sflag:s23] =	ssyncadd.s32 $0xFFFFFFFF  }
0xa5: {  	s26 =	simm.s32 $execute0_lowered;
	[smem:$0x3FD2] =	sst s25  }
0xa6: {  	s5 =	sshll.u32 s26, $0x1;
	_ =	strace $0x80000046;
	[dreg:$0x1] =	wrdreg $0xFFFFFFFF  }
0xa7: {  	s28 =	simm.s32 $_size_execute0_lowered;
	s3 =	sadd.s32 s3, s5;
	[dreg:$0x0] =	wrdreg $0x0  }
0xa8: {  	s5 =	sshll.u32 s28, $0x1;
	[dreg:$0x2] =	wrdreg s3  }
0xa9: {  	[dreg:$0x3] =	wrdreg s5  }
0xaa: {  	[dreg:$0x4] =	wrdreg $0xC0  }
0xab: {  	_ =	task [dreg:s7], $0x5FFFF  }
0xac: {  	[dreg:$0x1] =	wrdreg $0xFFFFFFFF  }
0xad: {  	[dreg:$0x0] =	wrdreg $0x60  }
0xae: {  	[dreg:$0x2] =	wrdreg s2  }
0xaf: {  	[dreg:$0x3] =	wrdreg s24  }
0xb0: {  	[dreg:$0x4] =	wrdreg $0x2B000  }
0xb1: {  	[dreg:$0x5] =	wrdreg $0x9  }
0xb2: {  	_ =	task.clear_ibuf [dreg:s7], $0x6FFFF;
	_ =	strace $0x90000046  }
0xb3: {  	s29 =	simm.s32 $0x9;
	_ =	strace $0x80000048  }
0xb4: {  	_ =	swait.ge [sflag:s29], $0x1  }
0xb5: {  	[sflag:s29] =	ssyncadd.s32 $0xFFFFFFFF  }
0xb6: {  	_ =	strace $0x90000048  }
0xb7: {  	_ =	sfence  }
0xb8: {  	s30 =	sld [smem:$0x0];
	_ =	sdelay $0x2  }
0xb9: {  	s31 =	sshll.u32 s1, $0xD;
	s1 =	sshrl.u32 s1, $0x2  }
0xba: {  	s3 =	sand.u32 $0x4000, s31;
	s1 =	sadd.s32 s1, s30  }
0xbb: {  	s0 =	sor.u32 s3, s0;
	s1 =	sshll.u32 s1, $0x11  }
0xbc: {  	s0 =	sor.u32 s1, s0  }
0xbd: {  	s0 =	sadd.s32 $0x8F2B, s0  }
0xbe: {  	[sflag:s0] =	ssyncadd.remote.s32 $0x1  }
0xbf: {  	_ =	sfence.sel $0xFFFF  }
0xc0: {  	[dreg:$0x0] =	wrdreg $0xFFFFFFFF;
	(pc) =	sbr.abs _section_cstart, $3  }
0xc1: {  	[dreg:$0x1] =	wrdreg $0xFFFFFFFF  }
0xc2: {  	_ =	task.clear_ibuf [dreg:s7], $0x2FFFF;
	_ =	strace $0x9FFFFFFF  }
0xc3: {  	(tm) =	ssettm $0x7FFFFFFF  }
tec
execute0_lowered:
.L_overlay_start_1:
0x0: {  	(tag) =	ssettag $0x1  }
0x1: {  	s5 =	rddreg [dreg:$0x0]  }
0x2: {  	s6 =	rddreg [dreg:$0x1]  }
0x3: {  	s2 =	rddreg [dreg:$0x2]  }
0x4: {  	s0 =	rddreg [dreg:$0x3]  }
0x5: {  	s4 =	srdreg.scid;
	s1 =	stileid.u32;
	s3 =	simm.s32 $0x0  }
0x6: {  	s12 =	simm.s32 $0x2800;
	s13 =	simm.s32 $0x0;
	s4 =	sand.u32 $0x1, s4  }
0x7: {  	s7 =	smul.u32 $0x278, s1;
	[smem:$0x7FF] =	sst s3;
	s9 =	sshll.u32 s1, $0x1  }
0x8: {  	s8 =	smul.u32 $0x2780, s4;
	s10 =	ssub.s32 $0x2, s4;
	s4 =	sor.u32 s4, s9  }
0x9: {  	_ =	strace $0x80000047;
	s31 =	sshrl.u32 s10, $0x1;
	s11 =	smul.u32 $0x500, s4  }
0xa: {  	s4 =	sadd.s32 $0xBC00, s6;
	s8 =	sadd.s32 s7, s8;
	s9 =	ssub.s32 s10, s31  }
0xb: {  	s10 =	simm.s32 $0x2880;
	s8 =	sshrl.u32 s8, $0x3;
	s5 =	sadd.s32 s5, s11  }
0xc: {  	s11 =	simm.s32 $0x80;
	s8 =	sadd.s32 s8, s6;
	s6 =	sadd.s32 s7, s2  }
0xd: {  	v0 =	vimm.f32 $1.000000000e+00;
	s7 =	sadd.s32 $0xBE00, s8;
	s8 =	smax.u32 s9, $0x1;
	s9 =	simm.s32 $0x1  }
.LBB2_1:
0xe: {  	[tilespmem:s3], [sflag:$0x1] =	stream.linear.gather [hbm4b:s5+s3], $0x2780, $0x38;
	[tilespmem:$0x2D78] =	vst v63  }
0xf: {  	_ =	swait.ge [sflag:s9], $0x2780  }
0x10: {  	[sflag:s9] =	ssyncset.done $0x0  }
0x11: {  	[sflag:s9] =	ssyncadd.s32 $0xFFFFD880  }
0x12: {  	[tilespmem:$0x2800] =	vst v0  }
0x13: {  	[tilespmem:$0x2810] =	vst v0  }
0x14: {  	[tilespmem:$0x2820] =	vst v0  }
0x15: {  	[tilespmem:$0x2830] =	vst v0  }
0x16: {  	[tilespmem:$0x2840] =	vst v0  }
0x17: {  	[tilespmem:$0x2850] =	vst v0  }
0x18: {  	[tilespmem:$0x2860] =	vst v0  }
0x19: {  	[tilespmem:$0x2870] =	vst v0  }
0x1a: {  	[tilespmem:s10], [sflag:$0x1] =	stream.linear.gather [hbm4b:s4+s3], $0x280, $0x38;
	[tilespmem:$0x2D78] =	vst v63  }
0x1b: {  	_ =	swait.ge [sflag:s9], $0x280  }
0x1c: {  	[sflag:s9] =	ssyncset.done $0x0  }
0x1d: {  	[sflag:s9] =	ssyncadd.s32 $0xFFFFFD80  }
0x1e: {  	[spmem:s6] =	stream.linear.scatter [tilespmem:s10], [sflag:$0x1], $0x278, $0x38;
	[tilespmem:$0x2D78] =	vst v63  }
0x1f: {  	_ =	swait.ge [sflag:s9], $0x278  }
0x20: {  	[sflag:s9] =	ssyncset.done $0x0  }
0x21: {  	[sflag:s9] =	ssyncadd.s32 $0xFFFFFD88  }
0x22: {  	s14 =	simm.s32 $0x0;
	[bflag:$0x0] =	sbarrier.arrive $0xFFFF  }
0x23: {  	[spmem:s2] =	stream.indirect.scatter.add.f32 [tilespmem:s12], [sflag:$0x1], $0x1, s14, s11, $0xb8;
	[tilespmem:$0x2D78] =	vst v63  }
0x24: {  	_ =	swait.ge [sflag:s9], $0x80  }
0x25: {  	s14 =	simm.s32 $0x200;
	[sflag:s9] =	ssyncset.done $0x0  }
.LBB2_2:
0x26: {  	s15 =	sshra.s32 s14, $0x2;
	[sflag:s9] =	ssyncadd.s32 $0xFFFFFF80;
	p0 =	sne.s32 s14, $0x9C00  }
0x27: {  	[spmem:s2] =	stream.indirect.scatter.add.f32 [tilespmem:s12], [sflag:$0x1], $0x1, s15, s11, $0xb8;
	[tilespmem:$0x2D78] =	vst v63  }
.Ltmp0:
0x28: {  	_ = 	snop;
	(pc) =	sbr.rel @p0 .LBB2_2-.Ltmp0, $4  }
0x29: {  	_ = 	snop  }
0x2a: {  	s14 =	sadd.s32 $0x200, s14  }
0x2b: {  	_ =	swait.ge [sflag:s9], $0x80  }
0x2c: {  	[sflag:s9] =	ssyncset.done $0x0  }
0x2d: {  	[sflag:s9] =	ssyncadd.s32 $0xFFFFFF80  }
0x2e: {  	[bflag:$0x0] =	sbarrier.arrive $0xFFFF  }
0x2f: {  	[tilespmem:s10], [sflag:$0x1] =	stream.linear.gather [spmem:s6], $0x278, $0x38;
	[tilespmem:$0x2D78] =	vst v63  }
0x30: {  	s13 =	sadd.s32 $0x1, s13;
	_ =	swait.ge [sflag:s9], $0x278  }
0x31: {  	p0 =	sne.s32 s13, s8;
	[sflag:s9] =	ssyncset.done $0x0  }
.Ltmp1:
0x32: {  	[sflag:s9] =	ssyncadd.s32 $0xFFFFFD88;
	(pc) =	sbr.rel @p0 .LBB2_1-.Ltmp1, $4  }
0x33: {  	[hbm4b:s7+s3] =	stream.linear.scatter [tilespmem:s10], [sflag:$0x1], $0x278, $0x38;
	[tilespmem:$0x2D78] =	vst v63  }
0x34: {  	_ =	swait.ge [sflag:s9], $0x278  }
0x35: {  	[sflag:s9] =	ssyncset.done $0x0  }
0x36: {  	[sflag:s9] =	ssyncadd.s32 $0xFFFFFD88  }
0x37: {  	_ =	sfence.sel $0x180000  }
0x38: {  	[bflag:$0x0] =	sbarrier.arrive $0xFFFF  }
0x39: {  	p0 =	sne.s32 s1, $0x0;
	_ =	strace $0x90000047  }
0x3a: {  	s0 =	sadd.s32 @!p0 $0x100000, s0;
	[bflag:$0x2] =	sbarrier.arrive $0xFFFF  }
0x3b: {  	[sflag:s0] =	ssyncadd.tile.s32 @!p0 $0x1;
	_ =	shalt  }
.Lfunc_end2:
_tile_overlayer_lowered:
.L_overlay_start_2:
0x3c: {  	(tag) =	ssettag $0x2  }
0x3d: {  	s0 =	rddreg [dreg:$0x0];
	s2 =	stileid.u32  }
0x3e: {  	s1 =	rddreg [dreg:$0x1];
	p0 =	sne.s32 s2, $0x0  }
0x3f: {  	s3 =	rddreg [dreg:$0x2];
	[bflag:$0x3] =	sbarrier.arrive $0xFFFF;
	s2 =	simm.s32 @!p0 $0x1C01  }
0x40: {  	[timem:s3], [sflag:s2] =	dma.local @!p0 [hbm:s0], s1  }
0x41: {  	s0 =	simm.s32 @!p0 $0x1  }
0x42: {  	_ =	swait.ge @!p0 [sflag:s0], s1  }
0x43: {  	s1 =	ssub.s32 @!p0 $0x0, s1;
	[sflag:s0] =	ssyncset.done @!p0 $0x0  }
0x44: {  	[sflag:s0] =	ssyncadd.s32 @!p0 s1  }
0x45: {  	[bflag:$0x3] =	sbarrier.arrive $0xFFFF  }
0x46: {  	_ =	shalt  }

</sc_bundles>
